<compile_context>
chip_gen: v7x
topology: tpu7x:2x2x1
jax: 0.10.2.dev20260603
libtpu: 0.0.44.dev20260713+nightly
codegen_flags: <defaults>
</compile_context>

<pallas_src>
import functools

import jax
import jax.numpy as jnp
from jax import lax
from jax.experimental import pallas as pl
from jax.experimental.pallas import tpu as pltpu
from jax.experimental.pallas import tpu_sc as plsc

ALPHA = 0.1
B = 16384
D = 16
NC = 2
NS = 16
NW = NC * NS
BPW = B // NW
K = 128
NCHUNK = BPW // K
LCH = 16

_mesh = plsc.VectorSubcoreMesh(core_axis_name="c", subcore_axis_name="s")


@functools.partial(
    pl.kernel,
    mesh=_mesh,
    out_type=jax.ShapeDtypeStruct((B, D), jnp.float32),
    scratch_types=[
        pltpu.VMEM((NCHUNK, K), jnp.int32),
        pltpu.VMEM((BPW, D), jnp.float32),
        pltpu.SemaphoreType.DMA,
    ],
    compiler_params=pltpu.CompilerParams(use_tc_tiling_on_sc=False),
)
def _gather_kernel(idx_hbm, std_hbm, g_hbm, idx_v, rows_v, sem):
    wid = lax.axis_index("s") * NC + lax.axis_index("c")
    base = wid * BPW

    pltpu.sync_copy(idx_hbm.at[pl.ds(wid * NCHUNK, NCHUNK)], idx_v)

    copies = []
    for j in range(NCHUNK):
        copies.append(
            pltpu.async_copy(std_hbm.at[idx_v.at[j]],
                             rows_v.at[pl.ds(j * K, K)], sem))
    for c in copies:
        c.wait()

    pltpu.sync_copy(rows_v, g_hbm.at[pl.ds(base, BPW)])


@functools.partial(
    pl.kernel,
    mesh=_mesh,
    out_type=jax.ShapeDtypeStruct((D, B), jnp.float32),
    scratch_types=[
        pltpu.VMEM((D, BPW), jnp.float32),
        pltpu.VMEM((D, BPW), jnp.float32),
        pltpu.VMEM((D, BPW), jnp.float32),
    ],
    compiler_params=pltpu.CompilerParams(use_tc_tiling_on_sc=True),
)
def _fma_kernel(xt_hbm, gt_hbm, epst_hbm, outt_hbm, g_v, x_v, eps_v):
    wid = lax.axis_index("s") * NC + lax.axis_index("c")
    base = wid * BPW

    pltpu.sync_copy(gt_hbm.at[:, pl.ds(base, BPW)], g_v)
    pltpu.sync_copy(xt_hbm.at[:, pl.ds(base, BPW)], x_v)
    pltpu.sync_copy(epst_hbm.at[:, pl.ds(base, BPW)], eps_v)

    def fma_chunk(c, carry):
        off = c * LCH
        for s in range(D):
            xr = x_v.at[s][pl.ds(off, LCH)]
            er = eps_v.at[s][pl.ds(off, LCH)]
            gr = g_v.at[s][pl.ds(off, LCH)]
            eps_v.at[s][pl.ds(off, LCH)] = xr + (er * gr) * ALPHA
        return carry

    lax.fori_loop(0, BPW // LCH, fma_chunk, 0)

    pltpu.sync_copy(eps_v, outt_hbm.at[:, pl.ds(base, BPW)])


def kernel(x, newY, std, eps):
    idx2 = newY.reshape(NW * NCHUNK, K)
    g = _gather_kernel(idx2, std)
    out_t = _fma_kernel(x.T, g.T, eps.T)
    return out_t.T

# --- scband reference (transcript-rebuilt; emitter-appended) ---
"""Pipeline reference for scband-noise-layer-16080357556530 (READ-ONLY COPY).

The authoritative reference and input builder live on the scoring server;
editing this copy changes nothing except your own understanding.
"""

import jax, jax.numpy as jnp
import numpy as np

ALPHA = 0.1
NUM_CLASSES = 1000000
B = 16384
D = 16


def setup_inputs(seed: int = 0) -> dict:
    key = jax.random.key(seed)
    k1, k2, k3, k4 = jax.random.split(key, 4)
    x = jax.random.normal(k1, (B, D), dtype=jnp.float32)
    newY = jax.random.randint(k2, (B,), 0, NUM_CLASSES, dtype=jnp.int32)
    # self.std: per-class noise std, a [num_classes, D] learned/derived buffer
    # (would be produced by calculate_class_mean in the torch module).
    std = jax.random.uniform(k3, (NUM_CLASSES, D), dtype=jnp.float32, minval=0.5, maxval=1.5)
    # eps: the standard-normal draw that torch.normal would make internally,
    # materialized here so the reference is deterministic.
    eps = jax.random.normal(k4, (B, D), dtype=jnp.float32)
    return {"x": x, "newY": newY, "std": std, "eps": eps}


def reference(x, newY, std, eps):
    # class_noise = torch.normal(mean=0, std=self.std[newY])  ==>  eps * std[newY]
    gathered_std = jnp.take(std, newY, axis=0)  # [B, D] row gather (embedding lookup)
    class_noise = eps * gathered_std
    return x + ALPHA * class_noise

if __name__ == "__main__":
    import jax
    _d = setup_inputs()
    print(jax.jit(kernel)(*tuple(_d.values())))

</pallas_src>

<mosaic_0001>
#map = affine_map<(d0, d1) -> (0, 0)>
module attributes {stable_mosaic.version = 14 : i64} {
  func.func @_gather_kernel(%arg0: i32, %arg1: i32, %arg2: memref<128x128xi32, #tpu.memory_space<hbm>>, %arg3: memref<1000000x16xf32, #tpu.memory_space<hbm>>, %arg4: memref<16384x16xf32, #tpu.memory_space<hbm>>, %arg5: memref<4x128xi32, #tpu.memory_space<vmem>>, %arg6: memref<512x16xf32, #tpu.memory_space<vmem>>, %arg7: memref<!tpu.dma_semaphore, #tpu.memory_space<semaphore_mem>>) attributes {dimension_semantics = [#tpu.dimension_semantics<core_parallel>, #tpu.dimension_semantics<subcore_parallel>], iteration_bounds = array<i64: 2, 16>, scalar_prefetch = 0 : i64, scratch_operands = 3 : i64, tpu.core_type = #tpu.core_type<sc_vector_subcore>, window_params = [{transform_indices = #map}, {transform_indices = #map}, {transform_indices = #map}]} {
    %mul3A = arith.constant 2 : i32
    %mul3A_0 = arith.muli %arg1, %mul3A : i32
    %add3A = arith.addi %mul3A_0, %arg0 : i32
    %mul3A_1 = arith.constant 512 : i32
    %mul3A_2 = arith.muli %add3A, %mul3A_1 : i32
    %mul3A_3 = arith.constant 4 : i32
    %mul3A_4 = arith.muli %add3A, %mul3A_3 : i32
    "tpu.region"() ({
      %run_scoped3A = tpu.sem_alloc : memref<!tpu.dma_semaphore, #tpu.memory_space<semaphore_mem>>
      %dma_start3A_83 = arith.constant 0 : i32
      %dma_start3A_84 = tpu.memref_slice %arg2[%mul3A_4, %dma_start3A_83] : memref<128x128xi32, #tpu.memory_space<hbm>> -> memref<4x128xi32, #tpu.memory_space<hbm>>
      %dma_start3A_85 = arith.constant 0 : i32
      %dma_start3A_86 = tpu.memref_slice %arg2[%mul3A_4, %dma_start3A_85] : memref<128x128xi32, #tpu.memory_space<hbm>> -> memref<4x128xi32, #tpu.memory_space<hbm>>
      tpu.enqueue_dma source(%dma_start3A_86 : memref<4x128xi32, #tpu.memory_space<hbm>>) target(%arg5 : memref<4x128xi32, #tpu.memory_space<vmem>>) target_semaphore(%run_scoped3A : memref<!tpu.dma_semaphore, #tpu.memory_space<semaphore_mem>>)
      %dma_wait3A_87 = arith.constant 0 : i32
      %dma_wait3A_88 = tpu.memref_slice %arg2[%mul3A_4, %dma_wait3A_87] : memref<128x128xi32, #tpu.memory_space<hbm>> -> memref<4x128xi32, #tpu.memory_space<hbm>>
      %dma_wait3A_89 = arith.constant 0 : i32
      %dma_wait3A_90 = tpu.memref_slice %arg2[%mul3A_4, %dma_wait3A_89] : memref<128x128xi32, #tpu.memory_space<hbm>> -> memref<4x128xi32, #tpu.memory_space<hbm>>
      tpu.wait_dma2 semaphore(%run_scoped3A : memref<!tpu.dma_semaphore, #tpu.memory_space<semaphore_mem>>) src(%dma_wait3A_90 : memref<4x128xi32, #tpu.memory_space<hbm>>) dst(%arg5 : memref<4x128xi32, #tpu.memory_space<vmem>>)
      tpu.yield
    }) : () -> ()
    %dma_start3A = arith.constant 0 : i32
    %dma_start3A_5 = arith.constant 0 : i32
    %dma_start3A_6 = arith.constant 0 : i32
    %dma_start3A_7 = tpu.memref_slice %arg6[%dma_start3A_5, %dma_start3A_6] : memref<512x16xf32, #tpu.memory_space<vmem>> -> memref<128x16xf32, #tpu.memory_space<vmem>>
    %dma_start3A_8 = arith.constant 0 : i32
    %dma_start3A_9 = tpu.memref_slice %arg5[%dma_start3A, %dma_start3A_8] : memref<4x128xi32, #tpu.memory_space<vmem>> -> memref<1x128xi32, #tpu.memory_space<vmem>>
    %dma_start3A_10 = tpu.memref_squeeze %dma_start3A_9 : memref<1x128xi32, #tpu.memory_space<vmem>> -> memref<128xi32, #tpu.memory_space<vmem>>
    %dma_start3A_11 = arith.constant 0 : i32
    %dma_start3A_12 = arith.constant 0 : i32
    %dma_start3A_13 = tpu.memref_slice %arg3[%dma_start3A_11, %dma_start3A_12] : memref<1000000x16xf32, #tpu.memory_space<hbm>> -> memref<1000000x16xf32, #tpu.memory_space<hbm>>
    tpu.enqueue_indirect_dma source(%dma_start3A_13 : memref<1000000x16xf32, #tpu.memory_space<hbm>>) target(%dma_start3A_7 : memref<128x16xf32, #tpu.memory_space<vmem>>) offsets(%dma_start3A_10 : memref<128xi32, #tpu.memory_space<vmem>>) semaphore(%arg7 : memref<!tpu.dma_semaphore, #tpu.memory_space<semaphore_mem>>)
    %dma_start3A_14 = arith.constant 1 : i32
    %dma_start3A_15 = arith.constant 128 : i32
    %dma_start3A_16 = arith.constant 0 : i32
    %dma_start3A_17 = tpu.memref_slice %arg6[%dma_start3A_15, %dma_start3A_16] : memref<512x16xf32, #tpu.memory_space<vmem>> -> memref<128x16xf32, #tpu.memory_space<vmem>>
    %dma_start3A_18 = arith.constant 0 : i32
    %dma_start3A_19 = tpu.memref_slice %arg5[%dma_start3A_14, %dma_start3A_18] : memref<4x128xi32, #tpu.memory_space<vmem>> -> memref<1x128xi32, #tpu.memory_space<vmem>>
    %dma_start3A_20 = tpu.memref_squeeze %dma_start3A_19 : memref<1x128xi32, #tpu.memory_space<vmem>> -> memref<128xi32, #tpu.memory_space<vmem>>
    %dma_start3A_21 = arith.constant 0 : i32
    %dma_start3A_22 = arith.constant 0 : i32
    %dma_start3A_23 = tpu.memref_slice %arg3[%dma_start3A_21, %dma_start3A_22] : memref<1000000x16xf32, #tpu.memory_space<hbm>> -> memref<1000000x16xf32, #tpu.memory_space<hbm>>
    tpu.enqueue_indirect_dma source(%dma_start3A_23 : memref<1000000x16xf32, #tpu.memory_space<hbm>>) target(%dma_start3A_17 : memref<128x16xf32, #tpu.memory_space<vmem>>) offsets(%dma_start3A_20 : memref<128xi32, #tpu.memory_space<vmem>>) semaphore(%arg7 : memref<!tpu.dma_semaphore, #tpu.memory_space<semaphore_mem>>)
    %dma_start3A_24 = arith.constant 2 : i32
    %dma_start3A_25 = arith.constant 256 : i32
    %dma_start3A_26 = arith.constant 0 : i32
    %dma_start3A_27 = tpu.memref_slice %arg6[%dma_start3A_25, %dma_start3A_26] : memref<512x16xf32, #tpu.memory_space<vmem>> -> memref<128x16xf32, #tpu.memory_space<vmem>>
    %dma_start3A_28 = arith.constant 0 : i32
    %dma_start3A_29 = tpu.memref_slice %arg5[%dma_start3A_24, %dma_start3A_28] : memref<4x128xi32, #tpu.memory_space<vmem>> -> memref<1x128xi32, #tpu.memory_space<vmem>>
    %dma_start3A_30 = tpu.memref_squeeze %dma_start3A_29 : memref<1x128xi32, #tpu.memory_space<vmem>> -> memref<128xi32, #tpu.memory_space<vmem>>
    %dma_start3A_31 = arith.constant 0 : i32
    %dma_start3A_32 = arith.constant 0 : i32
    %dma_start3A_33 = tpu.memref_slice %arg3[%dma_start3A_31, %dma_start3A_32] : memref<1000000x16xf32, #tpu.memory_space<hbm>> -> memref<1000000x16xf32, #tpu.memory_space<hbm>>
    tpu.enqueue_indirect_dma source(%dma_start3A_33 : memref<1000000x16xf32, #tpu.memory_space<hbm>>) target(%dma_start3A_27 : memref<128x16xf32, #tpu.memory_space<vmem>>) offsets(%dma_start3A_30 : memref<128xi32, #tpu.memory_space<vmem>>) semaphore(%arg7 : memref<!tpu.dma_semaphore, #tpu.memory_space<semaphore_mem>>)
    %dma_start3A_34 = arith.constant 3 : i32
    %dma_start3A_35 = arith.constant 384 : i32
    %dma_start3A_36 = arith.constant 0 : i32
    %dma_start3A_37 = tpu.memref_slice %arg6[%dma_start3A_35, %dma_start3A_36] : memref<512x16xf32, #tpu.memory_space<vmem>> -> memref<128x16xf32, #tpu.memory_space<vmem>>
    %dma_start3A_38 = arith.constant 0 : i32
    %dma_start3A_39 = tpu.memref_slice %arg5[%dma_start3A_34, %dma_start3A_38] : memref<4x128xi32, #tpu.memory_space<vmem>> -> memref<1x128xi32, #tpu.memory_space<vmem>>
    %dma_start3A_40 = tpu.memref_squeeze %dma_start3A_39 : memref<1x128xi32, #tpu.memory_space<vmem>> -> memref<128xi32, #tpu.memory_space<vmem>>
    %dma_start3A_41 = arith.constant 0 : i32
    %dma_start3A_42 = arith.constant 0 : i32
    %dma_start3A_43 = tpu.memref_slice %arg3[%dma_start3A_41, %dma_start3A_42] : memref<1000000x16xf32, #tpu.memory_space<hbm>> -> memref<1000000x16xf32, #tpu.memory_space<hbm>>
    tpu.enqueue_indirect_dma source(%dma_start3A_43 : memref<1000000x16xf32, #tpu.memory_space<hbm>>) target(%dma_start3A_37 : memref<128x16xf32, #tpu.memory_space<vmem>>) offsets(%dma_start3A_40 : memref<128xi32, #tpu.memory_space<vmem>>) semaphore(%arg7 : memref<!tpu.dma_semaphore, #tpu.memory_space<semaphore_mem>>)
    %dma_wait3A = arith.constant 0 : i32
    %dma_wait3A_44 = arith.constant 0 : i32
    %dma_wait3A_45 = arith.constant 0 : i32
    %dma_wait3A_46 = tpu.memref_slice %arg6[%dma_wait3A_44, %dma_wait3A_45] : memref<512x16xf32, #tpu.memory_space<vmem>> -> memref<128x16xf32, #tpu.memory_space<vmem>>
    %dma_wait3A_47 = arith.constant 0 : i32
    %dma_wait3A_48 = tpu.memref_slice %arg5[%dma_wait3A, %dma_wait3A_47] : memref<4x128xi32, #tpu.memory_space<vmem>> -> memref<1x128xi32, #tpu.memory_space<vmem>>
    %dma_wait3A_49 = tpu.memref_squeeze %dma_wait3A_48 : memref<1x128xi32, #tpu.memory_space<vmem>> -> memref<128xi32, #tpu.memory_space<vmem>>
    %dma_wait3A_50 = arith.constant 0 : i32
    %dma_wait3A_51 = arith.constant 0 : i32
    %dma_wait3A_52 = tpu.memref_slice %arg3[%dma_wait3A_50, %dma_wait3A_51] : memref<1000000x16xf32, #tpu.memory_space<hbm>> -> memref<1000000x16xf32, #tpu.memory_space<hbm>>
    tpu.wait_indirect_dma semaphore(%arg7 : memref<!tpu.dma_semaphore, #tpu.memory_space<semaphore_mem>>) src(%dma_wait3A_52 : memref<1000000x16xf32, #tpu.memory_space<hbm>>) dst(%dma_wait3A_46 : memref<128x16xf32, #tpu.memory_space<vmem>>)
    %dma_wait3A_53 = arith.constant 1 : i32
    %dma_wait3A_54 = arith.constant 128 : i32
    %dma_wait3A_55 = arith.constant 0 : i32
    %dma_wait3A_56 = tpu.memref_slice %arg6[%dma_wait3A_54, %dma_wait3A_55] : memref<512x16xf32, #tpu.memory_space<vmem>> -> memref<128x16xf32, #tpu.memory_space<vmem>>
    %dma_wait3A_57 = arith.constant 0 : i32
    %dma_wait3A_58 = tpu.memref_slice %arg5[%dma_wait3A_53, %dma_wait3A_57] : memref<4x128xi32, #tpu.memory_space<vmem>> -> memref<1x128xi32, #tpu.memory_space<vmem>>
    %dma_wait3A_59 = tpu.memref_squeeze %dma_wait3A_58 : memref<1x128xi32, #tpu.memory_space<vmem>> -> memref<128xi32, #tpu.memory_space<vmem>>
    %dma_wait3A_60 = arith.constant 0 : i32
    %dma_wait3A_61 = arith.constant 0 : i32
    %dma_wait3A_62 = tpu.memref_slice %arg3[%dma_wait3A_60, %dma_wait3A_61] : memref<1000000x16xf32, #tpu.memory_space<hbm>> -> memref<1000000x16xf32, #tpu.memory_space<hbm>>
    tpu.wait_indirect_dma semaphore(%arg7 : memref<!tpu.dma_semaphore, #tpu.memory_space<semaphore_mem>>) src(%dma_wait3A_62 : memref<1000000x16xf32, #tpu.memory_space<hbm>>) dst(%dma_wait3A_56 : memref<128x16xf32, #tpu.memory_space<vmem>>)
    %dma_wait3A_63 = arith.constant 2 : i32
    %dma_wait3A_64 = arith.constant 256 : i32
    %dma_wait3A_65 = arith.constant 0 : i32
    %dma_wait3A_66 = tpu.memref_slice %arg6[%dma_wait3A_64, %dma_wait3A_65] : memref<512x16xf32, #tpu.memory_space<vmem>> -> memref<128x16xf32, #tpu.memory_space<vmem>>
    %dma_wait3A_67 = arith.constant 0 : i32
    %dma_wait3A_68 = tpu.memref_slice %arg5[%dma_wait3A_63, %dma_wait3A_67] : memref<4x128xi32, #tpu.memory_space<vmem>> -> memref<1x128xi32, #tpu.memory_space<vmem>>
    %dma_wait3A_69 = tpu.memref_squeeze %dma_wait3A_68 : memref<1x128xi32, #tpu.memory_space<vmem>> -> memref<128xi32, #tpu.memory_space<vmem>>
    %dma_wait3A_70 = arith.constant 0 : i32
    %dma_wait3A_71 = arith.constant 0 : i32
    %dma_wait3A_72 = tpu.memref_slice %arg3[%dma_wait3A_70, %dma_wait3A_71] : memref<1000000x16xf32, #tpu.memory_space<hbm>> -> memref<1000000x16xf32, #tpu.memory_space<hbm>>
    tpu.wait_indirect_dma semaphore(%arg7 : memref<!tpu.dma_semaphore, #tpu.memory_space<semaphore_mem>>) src(%dma_wait3A_72 : memref<1000000x16xf32, #tpu.memory_space<hbm>>) dst(%dma_wait3A_66 : memref<128x16xf32, #tpu.memory_space<vmem>>)
    %dma_wait3A_73 = arith.constant 3 : i32
    %dma_wait3A_74 = arith.constant 384 : i32
    %dma_wait3A_75 = arith.constant 0 : i32
    %dma_wait3A_76 = tpu.memref_slice %arg6[%dma_wait3A_74, %dma_wait3A_75] : memref<512x16xf32, #tpu.memory_space<vmem>> -> memref<128x16xf32, #tpu.memory_space<vmem>>
    %dma_wait3A_77 = arith.constant 0 : i32
    %dma_wait3A_78 = tpu.memref_slice %arg5[%dma_wait3A_73, %dma_wait3A_77] : memref<4x128xi32, #tpu.memory_space<vmem>> -> memref<1x128xi32, #tpu.memory_space<vmem>>
    %dma_wait3A_79 = tpu.memref_squeeze %dma_wait3A_78 : memref<1x128xi32, #tpu.memory_space<vmem>> -> memref<128xi32, #tpu.memory_space<vmem>>
    %dma_wait3A_80 = arith.constant 0 : i32
    %dma_wait3A_81 = arith.constant 0 : i32
    %dma_wait3A_82 = tpu.memref_slice %arg3[%dma_wait3A_80, %dma_wait3A_81] : memref<1000000x16xf32, #tpu.memory_space<hbm>> -> memref<1000000x16xf32, #tpu.memory_space<hbm>>
    tpu.wait_indirect_dma semaphore(%arg7 : memref<!tpu.dma_semaphore, #tpu.memory_space<semaphore_mem>>) src(%dma_wait3A_82 : memref<1000000x16xf32, #tpu.memory_space<hbm>>) dst(%dma_wait3A_76 : memref<128x16xf32, #tpu.memory_space<vmem>>)
    "tpu.region"() ({
      %run_scoped3A = tpu.sem_alloc : memref<!tpu.dma_semaphore, #tpu.memory_space<semaphore_mem>>
      %dma_start3A_83 = arith.constant 0 : i32
      %dma_start3A_84 = tpu.memref_slice %arg4[%mul3A_2, %dma_start3A_83] : memref<16384x16xf32, #tpu.memory_space<hbm>> -> memref<512x16xf32, #tpu.memory_space<hbm>>
      %dma_start3A_85 = arith.constant 0 : i32
      %dma_start3A_86 = tpu.memref_slice %arg4[%mul3A_2, %dma_start3A_85] : memref<16384x16xf32, #tpu.memory_space<hbm>> -> memref<512x16xf32, #tpu.memory_space<hbm>>
      tpu.enqueue_dma source(%arg6 : memref<512x16xf32, #tpu.memory_space<vmem>>) target(%dma_start3A_86 : memref<512x16xf32, #tpu.memory_space<hbm>>) target_semaphore(%run_scoped3A : memref<!tpu.dma_semaphore, #tpu.memory_space<semaphore_mem>>)
      %dma_wait3A_87 = arith.constant 0 : i32
      %dma_wait3A_88 = tpu.memref_slice %arg4[%mul3A_2, %dma_wait3A_87] : memref<16384x16xf32, #tpu.memory_space<hbm>> -> memref<512x16xf32, #tpu.memory_space<hbm>>
      %dma_wait3A_89 = arith.constant 0 : i32
      %dma_wait3A_90 = tpu.memref_slice %arg4[%mul3A_2, %dma_wait3A_89] : memref<16384x16xf32, #tpu.memory_space<hbm>> -> memref<512x16xf32, #tpu.memory_space<hbm>>
      tpu.wait_dma2 semaphore(%run_scoped3A : memref<!tpu.dma_semaphore, #tpu.memory_space<semaphore_mem>>) src(%arg6 : memref<512x16xf32, #tpu.memory_space<vmem>>) dst(%dma_wait3A_90 : memref<512x16xf32, #tpu.memory_space<hbm>>)
      tpu.yield
    }) : () -> ()
    return
  }
}

#map = affine_map<(d0, d1) -> (0, 0)>
module attributes {stable_mosaic.version = 14 : i64} {
  func.func @_fma_kernel(%arg0: i32, %arg1: i32, %arg2: memref<16x16384xf32, #tpu.memory_space<hbm>>, %arg3: memref<16x16384xf32, #tpu.memory_space<hbm>>, %arg4: memref<16x16384xf32, #tpu.memory_space<hbm>>, %arg5: memref<16x16384xf32, #tpu.memory_space<hbm>>, %arg6: memref<16x512xf32, #tpu.memory_space<vmem>>, %arg7: memref<16x512xf32, #tpu.memory_space<vmem>>, %arg8: memref<16x512xf32, #tpu.memory_space<vmem>>) attributes {dimension_semantics = [#tpu.dimension_semantics<core_parallel>, #tpu.dimension_semantics<subcore_parallel>], iteration_bounds = array<i64: 2, 16>, scalar_prefetch = 0 : i64, scratch_operands = 3 : i64, tpu.core_type = #tpu.core_type<sc_vector_subcore>, window_params = [{transform_indices = #map}, {transform_indices = #map}, {transform_indices = #map}, {transform_indices = #map}]} {
    %mul3A = arith.constant 2 : i32
    %mul3A_0 = arith.muli %arg1, %mul3A : i32
    %add3A = arith.addi %mul3A_0, %arg0 : i32
    %mul3A_1 = arith.constant 512 : i32
    %mul3A_2 = arith.muli %add3A, %mul3A_1 : i32
    "tpu.region"() ({
      %run_scoped3A = tpu.sem_alloc : memref<!tpu.dma_semaphore, #tpu.memory_space<semaphore_mem>>
      %dma_start3A = arith.constant 0 : i32
      %dma_start3A_8 = tpu.memref_slice %arg3[%dma_start3A, %mul3A_2] : memref<16x16384xf32, #tpu.memory_space<hbm>> -> memref<16x512xf32, #tpu.memory_space<hbm>>
      %dma_start3A_9 = arith.constant 0 : i32
      %dma_start3A_10 = tpu.memref_slice %arg3[%dma_start3A_9, %mul3A_2] : memref<16x16384xf32, #tpu.memory_space<hbm>> -> memref<16x512xf32, #tpu.memory_space<hbm>>
      tpu.enqueue_dma source(%dma_start3A_10 : memref<16x512xf32, #tpu.memory_space<hbm>>) target(%arg6 : memref<16x512xf32, #tpu.memory_space<vmem>>) target_semaphore(%run_scoped3A : memref<!tpu.dma_semaphore, #tpu.memory_space<semaphore_mem>>)
      %dma_wait3A = arith.constant 0 : i32
      %dma_wait3A_11 = tpu.memref_slice %arg3[%dma_wait3A, %mul3A_2] : memref<16x16384xf32, #tpu.memory_space<hbm>> -> memref<16x512xf32, #tpu.memory_space<hbm>>
      %dma_wait3A_12 = arith.constant 0 : i32
      %dma_wait3A_13 = tpu.memref_slice %arg3[%dma_wait3A_12, %mul3A_2] : memref<16x16384xf32, #tpu.memory_space<hbm>> -> memref<16x512xf32, #tpu.memory_space<hbm>>
      tpu.wait_dma2 semaphore(%run_scoped3A : memref<!tpu.dma_semaphore, #tpu.memory_space<semaphore_mem>>) src(%dma_wait3A_13 : memref<16x512xf32, #tpu.memory_space<hbm>>) dst(%arg6 : memref<16x512xf32, #tpu.memory_space<vmem>>)
      tpu.yield
    }) : () -> ()
    "tpu.region"() ({
      %run_scoped3A = tpu.sem_alloc : memref<!tpu.dma_semaphore, #tpu.memory_space<semaphore_mem>>
      %dma_start3A = arith.constant 0 : i32
      %dma_start3A_8 = tpu.memref_slice %arg2[%dma_start3A, %mul3A_2] : memref<16x16384xf32, #tpu.memory_space<hbm>> -> memref<16x512xf32, #tpu.memory_space<hbm>>
      %dma_start3A_9 = arith.constant 0 : i32
      %dma_start3A_10 = tpu.memref_slice %arg2[%dma_start3A_9, %mul3A_2] : memref<16x16384xf32, #tpu.memory_space<hbm>> -> memref<16x512xf32, #tpu.memory_space<hbm>>
      tpu.enqueue_dma source(%dma_start3A_10 : memref<16x512xf32, #tpu.memory_space<hbm>>) target(%arg7 : memref<16x512xf32, #tpu.memory_space<vmem>>) target_semaphore(%run_scoped3A : memref<!tpu.dma_semaphore, #tpu.memory_space<semaphore_mem>>)
      %dma_wait3A = arith.constant 0 : i32
      %dma_wait3A_11 = tpu.memref_slice %arg2[%dma_wait3A, %mul3A_2] : memref<16x16384xf32, #tpu.memory_space<hbm>> -> memref<16x512xf32, #tpu.memory_space<hbm>>
      %dma_wait3A_12 = arith.constant 0 : i32
      %dma_wait3A_13 = tpu.memref_slice %arg2[%dma_wait3A_12, %mul3A_2] : memref<16x16384xf32, #tpu.memory_space<hbm>> -> memref<16x512xf32, #tpu.memory_space<hbm>>
      tpu.wait_dma2 semaphore(%run_scoped3A : memref<!tpu.dma_semaphore, #tpu.memory_space<semaphore_mem>>) src(%dma_wait3A_13 : memref<16x512xf32, #tpu.memory_space<hbm>>) dst(%arg7 : memref<16x512xf32, #tpu.memory_space<vmem>>)
      tpu.yield
    }) : () -> ()
    "tpu.region"() ({
      %run_scoped3A = tpu.sem_alloc : memref<!tpu.dma_semaphore, #tpu.memory_space<semaphore_mem>>
      %dma_start3A = arith.constant 0 : i32
      %dma_start3A_8 = tpu.memref_slice %arg4[%dma_start3A, %mul3A_2] : memref<16x16384xf32, #tpu.memory_space<hbm>> -> memref<16x512xf32, #tpu.memory_space<hbm>>
      %dma_start3A_9 = arith.constant 0 : i32
      %dma_start3A_10 = tpu.memref_slice %arg4[%dma_start3A_9, %mul3A_2] : memref<16x16384xf32, #tpu.memory_space<hbm>> -> memref<16x512xf32, #tpu.memory_space<hbm>>
      tpu.enqueue_dma source(%dma_start3A_10 : memref<16x512xf32, #tpu.memory_space<hbm>>) target(%arg8 : memref<16x512xf32, #tpu.memory_space<vmem>>) target_semaphore(%run_scoped3A : memref<!tpu.dma_semaphore, #tpu.memory_space<semaphore_mem>>)
      %dma_wait3A = arith.constant 0 : i32
      %dma_wait3A_11 = tpu.memref_slice %arg4[%dma_wait3A, %mul3A_2] : memref<16x16384xf32, #tpu.memory_space<hbm>> -> memref<16x512xf32, #tpu.memory_space<hbm>>
      %dma_wait3A_12 = arith.constant 0 : i32
      %dma_wait3A_13 = tpu.memref_slice %arg4[%dma_wait3A_12, %mul3A_2] : memref<16x16384xf32, #tpu.memory_space<hbm>> -> memref<16x512xf32, #tpu.memory_space<hbm>>
      tpu.wait_dma2 semaphore(%run_scoped3A : memref<!tpu.dma_semaphore, #tpu.memory_space<semaphore_mem>>) src(%dma_wait3A_13 : memref<16x512xf32, #tpu.memory_space<hbm>>) dst(%arg8 : memref<16x512xf32, #tpu.memory_space<vmem>>)
      tpu.yield
    }) : () -> ()
    %scan3A = arith.constant 0 : i32
    %scan3A_3 = arith.constant 0 : i32
    %scan3A_4 = arith.constant 32 : i32
    %scan3A_5 = arith.addi %scan3A_3, %scan3A_4 : i32
    %scan3A_6 = arith.constant 1 : i32
    scf.for %scan3A_8 = %scan3A_3 to %scan3A_5 step %scan3A_6  : i32 {
      %mul3A_9 = arith.constant 16 : i32
      %mul3A_10 = arith.muli %scan3A_8, %mul3A_9 : i32
      %get3A = arith.constant 0 : i32
      %get3A_11 = arith.constant 0 : i32
      %get3A_12 = tpu.memref_slice %arg7[%get3A, %get3A_11] : memref<16x512xf32, #tpu.memory_space<vmem>> -> memref<1x512xf32, #tpu.memory_space<vmem>>
      %get3A_13 = tpu.memref_squeeze %get3A_12 : memref<1x512xf32, #tpu.memory_space<vmem>> -> memref<512xf32, #tpu.memory_space<vmem>>
      %get3A_14 = arith.index_cast %mul3A_10 : i32 to index
      %get3A_15 = tpu.vector_load %get3A_13[%get3A_14] {strides = array<i32>} : memref<512xf32, #tpu.memory_space<vmem>>, vector<16xf32>,
      %get3A_16 = vector.shape_cast %get3A_15 : vector<16xf32> to vector<16xf32>
      %get3A_17 = arith.constant 0 : i32
      %get3A_18 = arith.constant 0 : i32
      %get3A_19 = tpu.memref_slice %arg8[%get3A_17, %get3A_18] : memref<16x512xf32, #tpu.memory_space<vmem>> -> memref<1x512xf32, #tpu.memory_space<vmem>>
      %get3A_20 = tpu.memref_squeeze %get3A_19 : memref<1x512xf32, #tpu.memory_space<vmem>> -> memref<512xf32, #tpu.memory_space<vmem>>
      %get3A_21 = arith.index_cast %mul3A_10 : i32 to index
      %get3A_22 = tpu.vector_load %get3A_20[%get3A_21] {strides = array<i32>} : memref<512xf32, #tpu.memory_space<vmem>>, vector<16xf32>,
      %get3A_23 = vector.shape_cast %get3A_22 : vector<16xf32> to vector<16xf32>
      %get3A_24 = arith.constant 0 : i32
      %get3A_25 = arith.constant 0 : i32
      %get3A_26 = tpu.memref_slice %arg6[%get3A_24, %get3A_25] : memref<16x512xf32, #tpu.memory_space<vmem>> -> memref<1x512xf32, #tpu.memory_space<vmem>>
      %get3A_27 = tpu.memref_squeeze %get3A_26 : memref<1x512xf32, #tpu.memory_space<vmem>> -> memref<512xf32, #tpu.memory_space<vmem>>
      %get3A_28 = arith.index_cast %mul3A_10 : i32 to index
      %get3A_29 = tpu.vector_load %get3A_27[%get3A_28] {strides = array<i32>} : memref<512xf32, #tpu.memory_space<vmem>>, vector<16xf32>,
      %get3A_30 = vector.shape_cast %get3A_29 : vector<16xf32> to vector<16xf32>
      %mul3A_31 = arith.mulf %get3A_23, %get3A_30 : vector<16xf32>
      %mul3A_32 = arith.constant 1.000000e-01 : f32
      %mul3A_33 = vector.broadcast %mul3A_32 : f32 to vector<16xf32>
      %mul3A_34 = arith.mulf %mul3A_31, %mul3A_33 : vector<16xf32>
      %add3A_35 = arith.addf %get3A_16, %mul3A_34 : vector<16xf32>
      %swap3A = arith.constant 0 : i32
      %swap3A_36 = arith.constant 0 : i32
      %swap3A_37 = tpu.memref_slice %arg8[%swap3A, %swap3A_36] : memref<16x512xf32, #tpu.memory_space<vmem>> -> memref<1x512xf32, #tpu.memory_space<vmem>>
      %swap3A_38 = tpu.memref_squeeze %swap3A_37 : memref<1x512xf32, #tpu.memory_space<vmem>> -> memref<512xf32, #tpu.memory_space<vmem>>
      %swap3A_39 = arith.index_cast %mul3A_10 : i32 to index
      %swap3A_40 = tpu.vector_load %swap3A_38[%swap3A_39] {strides = array<i32>} : memref<512xf32, #tpu.memory_space<vmem>>, vector<16xf32>,
      %swap3A_41 = vector.shape_cast %swap3A_40 : vector<16xf32> to vector<16xf32>
      %swap3A_42 = vector.shape_cast %add3A_35 : vector<16xf32> to vector<16xf32>
      tpu.vector_store %swap3A_38[%swap3A_39], %swap3A_42 {strides = array<i32>} : memref<512xf32, #tpu.memory_space<vmem>>, vector<16xf32>,
      %get3A_43 = arith.constant 1 : i32
      %get3A_44 = arith.constant 0 : i32
      %get3A_45 = tpu.memref_slice %arg7[%get3A_43, %get3A_44] : memref<16x512xf32, #tpu.memory_space<vmem>> -> memref<1x512xf32, #tpu.memory_space<vmem>>
      %get3A_46 = tpu.memref_squeeze %get3A_45 : memref<1x512xf32, #tpu.memory_space<vmem>> -> memref<512xf32, #tpu.memory_space<vmem>>
      %get3A_47 = arith.index_cast %mul3A_10 : i32 to index
      %get3A_48 = tpu.vector_load %get3A_46[%get3A_47] {strides = array<i32>} : memref<512xf32, #tpu.memory_space<vmem>>, vector<16xf32>,
      %get3A_49 = vector.shape_cast %get3A_48 : vector<16xf32> to vector<16xf32>
      %get3A_50 = arith.constant 1 : i32
      %get3A_51 = arith.constant 0 : i32
      %get3A_52 = tpu.memref_slice %arg8[%get3A_50, %get3A_51] : memref<16x512xf32, #tpu.memory_space<vmem>> -> memref<1x512xf32, #tpu.memory_space<vmem>>
      %get3A_53 = tpu.memref_squeeze %get3A_52 : memref<1x512xf32, #tpu.memory_space<vmem>> -> memref<512xf32, #tpu.memory_space<vmem>>
      %get3A_54 = arith.index_cast %mul3A_10 : i32 to index
      %get3A_55 = tpu.vector_load %get3A_53[%get3A_54] {strides = array<i32>} : memref<512xf32, #tpu.memory_space<vmem>>, vector<16xf32>,
      %get3A_56 = vector.shape_cast %get3A_55 : vector<16xf32> to vector<16xf32>
      %get3A_57 = arith.constant 1 : i32
      %get3A_58 = arith.constant 0 : i32
      %get3A_59 = tpu.memref_slice %arg6[%get3A_57, %get3A_58] : memref<16x512xf32, #tpu.memory_space<vmem>> -> memref<1x512xf32, #tpu.memory_space<vmem>>
      %get3A_60 = tpu.memref_squeeze %get3A_59 : memref<1x512xf32, #tpu.memory_space<vmem>> -> memref<512xf32, #tpu.memory_space<vmem>>
      %get3A_61 = arith.index_cast %mul3A_10 : i32 to index
      %get3A_62 = tpu.vector_load %get3A_60[%get3A_61] {strides = array<i32>} : memref<512xf32, #tpu.memory_space<vmem>>, vector<16xf32>,
      %get3A_63 = vector.shape_cast %get3A_62 : vector<16xf32> to vector<16xf32>
      %mul3A_64 = arith.mulf %get3A_56, %get3A_63 : vector<16xf32>
      %mul3A_65 = arith.constant 1.000000e-01 : f32
      %mul3A_66 = vector.broadcast %mul3A_65 : f32 to vector<16xf32>
      %mul3A_67 = arith.mulf %mul3A_64, %mul3A_66 : vector<16xf32>
      %add3A_68 = arith.addf %get3A_49, %mul3A_67 : vector<16xf32>
      %swap3A_69 = arith.constant 1 : i32
      %swap3A_70 = arith.constant 0 : i32
      %swap3A_71 = tpu.memref_slice %arg8[%swap3A_69, %swap3A_70] : memref<16x512xf32, #tpu.memory_space<vmem>> -> memref<1x512xf32, #tpu.memory_space<vmem>>
      %swap3A_72 = tpu.memref_squeeze %swap3A_71 : memref<1x512xf32, #tpu.memory_space<vmem>> -> memref<512xf32, #tpu.memory_space<vmem>>
      %swap3A_73 = arith.index_cast %mul3A_10 : i32 to index
      %swap3A_74 = tpu.vector_load %swap3A_72[%swap3A_73] {strides = array<i32>} : memref<512xf32, #tpu.memory_space<vmem>>, vector<16xf32>,
      %swap3A_75 = vector.shape_cast %swap3A_74 : vector<16xf32> to vector<16xf32>
      %swap3A_76 = vector.shape_cast %add3A_68 : vector<16xf32> to vector<16xf32>
      tpu.vector_store %swap3A_72[%swap3A_73], %swap3A_76 {strides = array<i32>} : memref<512xf32, #tpu.memory_space<vmem>>, vector<16xf32>,
      %get3A_77 = arith.constant 2 : i32
      %get3A_78 = arith.constant 0 : i32
      %get3A_79 = tpu.memref_slice %arg7[%get3A_77, %get3A_78] : memref<16x512xf32, #tpu.memory_space<vmem>> -> memref<1x512xf32, #tpu.memory_space<vmem>>
      %get3A_80 = tpu.memref_squeeze %get3A_79 : memref<1x512xf32, #tpu.memory_space<vmem>> -> memref<512xf32, #tpu.memory_space<vmem>>
      %get3A_81 = arith.index_cast %mul3A_10 : i32 to index
      %get3A_82 = tpu.vector_load %get3A_80[%get3A_81] {strides = array<i32>} : memref<512xf32, #tpu.memory_space<vmem>>, vector<16xf32>,
      %get3A_83 = vector.shape_cast %get3A_82 : vector<16xf32> to vector<16xf32>
      %get3A_84 = arith.constant 2 : i32
      %get3A_85 = arith.constant 0 : i32
      %get3A_86 = tpu.memref_slice %arg8[%get3A_84, %get3A_85] : memref<16x512xf32, #tpu.memory_space<vmem>> -> memref<1x512xf32, #tpu.memory_space<vmem>>
      %get3A_87 = tpu.memref_squeeze %get3A_86 : memref<1x512xf32, #tpu.memory_space<vmem>> -> memref<512xf32, #tpu.memory_space<vmem>>
      %get3A_88 = arith.index_cast %mul3A_10 : i32 to index
      %get3A_89 = tpu.vector_load %get3A_87[%get3A_88] {strides = array<i32>} : memref<512xf32, #tpu.memory_space<vmem>>, vector<16xf32>,
      %get3A_90 = vector.shape_cast %get3A_89 : vector<16xf32> to vector<16xf32>
      %get3A_91 = arith.constant 2 : i32
      %get3A_92 = arith.constant 0 : i32
      %get3A_93 = tpu.memref_slice %arg6[%get3A_91, %get3A_92] : memref<16x512xf32, #tpu.memory_space<vmem>> -> memref<1x512xf32, #tpu.memory_space<vmem>>
      %get3A_94 = tpu.memref_squeeze %get3A_93 : memref<1x512xf32, #tpu.memory_space<vmem>> -> memref<512xf32, #tpu.memory_space<vmem>>
      %get3A_95 = arith.index_cast %mul3A_10 : i32 to index
      %get3A_96 = tpu.vector_load %get3A_94[%get3A_95] {strides = array<i32>} : memref<512xf32, #tpu.memory_space<vmem>>, vector<16xf32>,
      %get3A_97 = vector.shape_cast %get3A_96 : vector<16xf32> to vector<16xf32>
      %mul3A_98 = arith.mulf %get3A_90, %get3A_97 : vector<16xf32>
      %mul3A_99 = arith.constant 1.000000e-01 : f32
      %mul3A_100 = vector.broadcast %mul3A_99 : f32 to vector<16xf32>
      %mul3A_101 = arith.mulf %mul3A_98, %mul3A_100 : vector<16xf32>
      %add3A_102 = arith.addf %get3A_83, %mul3A_101 : vector<16xf32>
      %swap3A_103 = arith.constant 2 : i32
      %swap3A_104 = arith.constant 0 : i32
      %swap3A_105 = tpu.memref_slice %arg8[%swap3A_103, %swap3A_104] : memref<16x512xf32, #tpu.memory_space<vmem>> -> memref<1x512xf32, #tpu.memory_space<vmem>>
      %swap3A_106 = tpu.memref_squeeze %swap3A_105 : memref<1x512xf32, #tpu.memory_space<vmem>> -> memref<512xf32, #tpu.memory_space<vmem>>
      %swap3A_107 = arith.index_cast %mul3A_10 : i32 to index
      %swap3A_108 = tpu.vector_load %swap3A_106[%swap3A_107] {strides = array<i32>} : memref<512xf32, #tpu.memory_space<vmem>>, vector<16xf32>,
      %swap3A_109 = vector.shape_cast %swap3A_108 : vector<16xf32> to vector<16xf32>
      %swap3A_110 = vector.shape_cast %add3A_102 : vector<16xf32> to vector<16xf32>
      tpu.vector_store %swap3A_106[%swap3A_107], %swap3A_110 {strides = array<i32>} : memref<512xf32, #tpu.memory_space<vmem>>, vector<16xf32>,
      %get3A_111 = arith.constant 3 : i32
      %get3A_112 = arith.constant 0 : i32
      %get3A_113 = tpu.memref_slice %arg7[%get3A_111, %get3A_112] : memref<16x512xf32, #tpu.memory_space<vmem>> -> memref<1x512xf32, #tpu.memory_space<vmem>>
      %get3A_114 = tpu.memref_squeeze %get3A_113 : memref<1x512xf32, #tpu.memory_space<vmem>> -> memref<512xf32, #tpu.memory_space<vmem>>
      %get3A_115 = arith.index_cast %mul3A_10 : i32 to index
      %get3A_116 = tpu.vector_load %get3A_114[%get3A_115] {strides = array<i32>} : memref<512xf32, #tpu.memory_space<vmem>>, vector<16xf32>,
      %get3A_117 = vector.shape_cast %get3A_116 : vector<16xf32> to vector<16xf32>
      %get3A_118 = arith.constant 3 : i32
      %get3A_119 = arith.constant 0 : i32
      %get3A_120 = tpu.memref_slice %arg8[%get3A_118, %get3A_119] : memref<16x512xf32, #tpu.memory_space<vmem>> -> memref<1x512xf32, #tpu.memory_space<vmem>>
      %get3A_121 = tpu.memref_squeeze %get3A_120 : memref<1x512xf32, #tpu.memory_space<vmem>> -> memref<512xf32, #tpu.memory_space<vmem>>
      %get3A_122 = arith.index_cast %mul3A_10 : i32 to index
      %get3A_123 = tpu.vector_load %get3A_121[%get3A_122] {strides = array<i32>} : memref<512xf32, #tpu.memory_space<vmem>>, vector<16xf32>,
      %get3A_124 = vector.shape_cast %get3A_123 : vector<16xf32> to vector<16xf32>
      %get3A_125 = arith.constant 3 : i32
      %get3A_126 = arith.constant 0 : i32
      %get3A_127 = tpu.memref_slice %arg6[%get3A_125, %get3A_126] : memref<16x512xf32, #tpu.memory_space<vmem>> -> memref<1x512xf32, #tpu.memory_space<vmem>>
      %get3A_128 = tpu.memref_squeeze %get3A_127 : memref<1x512xf32, #tpu.memory_space<vmem>> -> memref<512xf32, #tpu.memory_space<vmem>>
      %get3A_129 = arith.index_cast %mul3A_10 : i32 to index
      %get3A_130 = tpu.vector_load %get3A_128[%get3A_129] {strides = array<i32>} : memref<512xf32, #tpu.memory_space<vmem>>, vector<16xf32>,
      %get3A_131 = vector.shape_cast %get3A_130 : vector<16xf32> to vector<16xf32>
      %mul3A_132 = arith.mulf %get3A_124, %get3A_131 : vector<16xf32>
      %mul3A_133 = arith.constant 1.000000e-01 : f32
      %mul3A_134 = vector.broadcast %mul3A_133 : f32 to vector<16xf32>
      %mul3A_135 = arith.mulf %mul3A_132, %mul3A_134 : vector<16xf32>
      %add3A_136 = arith.addf %get3A_117, %mul3A_135 : vector<16xf32>
      %swap3A_137 = arith.constant 3 : i32
      %swap3A_138 = arith.constant 0 : i32
      %swap3A_139 = tpu.memref_slice %arg8[%swap3A_137, %swap3A_138] : memref<16x512xf32, #tpu.memory_space<vmem>> -> memref<1x512xf32, #tpu.memory_space<vmem>>
      %swap3A_140 = tpu.memref_squeeze %swap3A_139 : memref<1x512xf32, #tpu.memory_space<vmem>> -> memref<512xf32, #tpu.memory_space<vmem>>
      %swap3A_141 = arith.index_cast %mul3A_10 : i32 to index
      %swap3A_142 = tpu.vector_load %swap3A_140[%swap3A_141] {strides = array<i32>} : memref<512xf32, #tpu.memory_space<vmem>>, vector<16xf32>,
      %swap3A_143 = vector.shape_cast %swap3A_142 : vector<16xf32> to vector<16xf32>
      %swap3A_144 = vector.shape_cast %add3A_136 : vector<16xf32> to vector<16xf32>
      tpu.vector_store %swap3A_140[%swap3A_141], %swap3A_144 {strides = array<i32>} : memref<512xf32, #tpu.memory_space<vmem>>, vector<16xf32>,
      %get3A_145 = arith.constant 4 : i32
      %get3A_146 = arith.constant 0 : i32
      %get3A_147 = tpu.memref_slice %arg7[%get3A_145, %get3A_146] : memref<16x512xf32, #tpu.memory_space<vmem>> -> memref<1x512xf32, #tpu.memory_space<vmem>>
      %get3A_148 = tpu.memref_squeeze %get3A_147 : memref<1x512xf32, #tpu.memory_space<vmem>> -> memref<512xf32, #tpu.memory_space<vmem>>
      %get3A_149 = arith.index_cast %mul3A_10 : i32 to index
      %get3A_150 = tpu.vector_load %get3A_148[%get3A_149] {strides = array<i32>} : memref<512xf32, #tpu.memory_space<vmem>>, vector<16xf32>,
      %get3A_151 = vector.shape_cast %get3A_150 : vector<16xf32> to vector<16xf32>
      %get3A_152 = arith.constant 4 : i32
      %get3A_153 = arith.constant 0 : i32
      %get3A_154 = tpu.memref_slice %arg8[%get3A_152, %get3A_153] : memref<16x512xf32, #tpu.memory_space<vmem>> -> memref<1x512xf32, #tpu.memory_space<vmem>>
      %get3A_155 = tpu.memref_squeeze %get3A_154 : memref<1x512xf32, #tpu.memory_space<vmem>> -> memref<512xf32, #tpu.memory_space<vmem>>
      %get3A_156 = arith.index_cast %mul3A_10 : i32 to index
      %get3A_157 = tpu.vector_load %get3A_155[%get3A_156] {strides = array<i32>} : memref<512xf32, #tpu.memory_space<vmem>>, vector<16xf32>,
      %get3A_158 = vector.shape_cast %get3A_157 : vector<16xf32> to vector<16xf32>
      %get3A_159 = arith.constant 4 : i32
      %get3A_160 = arith.constant 0 : i32
      %get3A_161 = tpu.memref_slice %arg6[%get3A_159, %get3A_160] : memref<16x512xf32, #tpu.memory_space<vmem>> -> memref<1x512xf32, #tpu.memory_space<vmem>>
      %get3A_162 = tpu.memref_squeeze %get3A_161 : memref<1x512xf32, #tpu.memory_space<vmem>> -> memref<512xf32, #tpu.memory_space<vmem>>
      %get3A_163 = arith.index_cast %mul3A_10 : i32 to index
      %get3A_164 = tpu.vector_load %get3A_162[%get3A_163] {strides = array<i32>} : memref<512xf32, #tpu.memory_space<vmem>>, vector<16xf32>,
      %get3A_165 = vector.shape_cast %get3A_164 : vector<16xf32> to vector<16xf32>
      %mul3A_166 = arith.mulf %get3A_158, %get3A_165 : vector<16xf32>
      %mul3A_167 = arith.constant 1.000000e-01 : f32
      %mul3A_168 = vector.broadcast %mul3A_167 : f32 to vector<16xf32>
      %mul3A_169 = arith.mulf %mul3A_166, %mul3A_168 : vector<16xf32>
      %add3A_170 = arith.addf %get3A_151, %mul3A_169 : vector<16xf32>
      %swap3A_171 = arith.constant 4 : i32
      %swap3A_172 = arith.constant 0 : i32
      %swap3A_173 = tpu.memref_slice %arg8[%swap3A_171, %swap3A_172] : memref<16x512xf32, #tpu.memory_space<vmem>> -> memref<1x512xf32, #tpu.memory_space<vmem>>
      %swap3A_174 = tpu.memref_squeeze %swap3A_173 : memref<1x512xf32, #tpu.memory_space<vmem>> -> memref<512xf32, #tpu.memory_space<vmem>>
      %swap3A_175 = arith.index_cast %mul3A_10 : i32 to index
      %swap3A_176 = tpu.vector_load %swap3A_174[%swap3A_175] {strides = array<i32>} : memref<512xf32, #tpu.memory_space<vmem>>, vector<16xf32>,
      %swap3A_177 = vector.shape_cast %swap3A_176 : vector<16xf32> to vector<16xf32>
      %swap3A_178 = vector.shape_cast %add3A_170 : vector<16xf32> to vector<16xf32>
      tpu.vector_store %swap3A_174[%swap3A_175], %swap3A_178 {strides = array<i32>} : memref<512xf32, #tpu.memory_space<vmem>>, vector<16xf32>,
      %get3A_179 = arith.constant 5 : i32
      %get3A_180 = arith.constant 0 : i32
      %get3A_181 = tpu.memref_slice %arg7[%get3A_179, %get3A_180] : memref<16x512xf32, #tpu.memory_space<vmem>> -> memref<1x512xf32, #tpu.memory_space<vmem>>
      %get3A_182 = tpu.memref_squeeze %get3A_181 : memref<1x512xf32, #tpu.memory_space<vmem>> -> memref<512xf32, #tpu.memory_space<vmem>>
      %get3A_183 = arith.index_cast %mul3A_10 : i32 to index
      %get3A_184 = tpu.vector_load %get3A_182[%get3A_183] {strides = array<i32>} : memref<512xf32, #tpu.memory_space<vmem>>, vector<16xf32>,
      %get3A_185 = vector.shape_cast %get3A_184 : vector<16xf32> to vector<16xf32>
      %get3A_186 = arith.constant 5 : i32
      %get3A_187 = arith.constant 0 : i32
      %get3A_188 = tpu.memref_slice %arg8[%get3A_186, %get3A_187] : memref<16x512xf32, #tpu.memory_space<vmem>> -> memref<1x512xf32, #tpu.memory_space<vmem>>
      %get3A_189 = tpu.memref_squeeze %get3A_188 : memref<1x512xf32, #tpu.memory_space<vmem>> -> memref<512xf32, #tpu.memory_space<vmem>>
      %get3A_190 = arith.index_cast %mul3A_10 : i32 to index
      %get3A_191 = tpu.vector_load %get3A_189[%get3A_190] {strides = array<i32>} : memref<512xf32, #tpu.memory_space<vmem>>, vector<16xf32>,
      %get3A_192 = vector.shape_cast %get3A_191 : vector<16xf32> to vector<16xf32>
      %get3A_193 = arith.constant 5 : i32
      %get3A_194 = arith.constant 0 : i32
      %get3A_195 = tpu.memref_slice %arg6[%get3A_193, %get3A_194] : memref<16x512xf32, #tpu.memory_space<vmem>> -> memref<1x512xf32, #tpu.memory_space<vmem>>
      %get3A_196 = tpu.memref_squeeze %get3A_195 : memref<1x512xf32, #tpu.memory_space<vmem>> -> memref<512xf32, #tpu.memory_space<vmem>>
      %get3A_197 = arith.index_cast %mul3A_10 : i32 to index
      %get3A_198 = tpu.vector_load %get3A_196[%get3A_197] {strides = array<i32>} : memref<512xf32, #tpu.memory_space<vmem>>, vector<16xf32>,
      %get3A_199 = vector.shape_cast %get3A_198 : vector<16xf32> to vector<16xf32>
      %mul3A_200 = arith.mulf %get3A_192, %get3A_199 : vector<16xf32>
      %mul3A_201 = arith.constant 1.000000e-01 : f32
      %mul3A_202 = vector.broadcast %mul3A_201 : f32 to vector<16xf32>
      %mul3A_203 = arith.mulf %mul3A_200, %mul3A_202 : vector<16xf32>
      %add3A_204 = arith.addf %get3A_185, %mul3A_203 : vector<16xf32>
      %swap3A_205 = arith.constant 5 : i32
      %swap3A_206 = arith.constant 0 : i32
      %swap3A_207 = tpu.memref_slice %arg8[%swap3A_205, %swap3A_206] : memref<16x512xf32, #tpu.memory_space<vmem>> -> memref<1x512xf32, #tpu.memory_space<vmem>>
      %swap3A_208 = tpu.memref_squeeze %swap3A_207 : memref<1x512xf32, #tpu.memory_space<vmem>> -> memref<512xf32, #tpu.memory_space<vmem>>
      %swap3A_209 = arith.index_cast %mul3A_10 : i32 to index
      %swap3A_210 = tpu.vector_load %swap3A_208[%swap3A_209] {strides = array<i32>} : memref<512xf32, #tpu.memory_space<vmem>>, vector<16xf32>,
      %swap3A_211 = vector.shape_cast %swap3A_210 : vector<16xf32> to vector<16xf32>
      %swap3A_212 = vector.shape_cast %add3A_204 : vector<16xf32> to vector<16xf32>
      tpu.vector_store %swap3A_208[%swap3A_209], %swap3A_212 {strides = array<i32>} : memref<512xf32, #tpu.memory_space<vmem>>, vector<16xf32>,
      %get3A_213 = arith.constant 6 : i32
      %get3A_214 = arith.constant 0 : i32
      %get3A_215 = tpu.memref_slice %arg7[%get3A_213, %get3A_214] : memref<16x512xf32, #tpu.memory_space<vmem>> -> memref<1x512xf32, #tpu.memory_space<vmem>>
      %get3A_216 = tpu.memref_squeeze %get3A_215 : memref<1x512xf32, #tpu.memory_space<vmem>> -> memref<512xf32, #tpu.memory_space<vmem>>
      %get3A_217 = arith.index_cast %mul3A_10 : i32 to index
      %get3A_218 = tpu.vector_load %get3A_216[%get3A_217] {strides = array<i32>} : memref<512xf32, #tpu.memory_space<vmem>>, vector<16xf32>,
      %get3A_219 = vector.shape_cast %get3A_218 : vector<16xf32> to vector<16xf32>
      %get3A_220 = arith.constant 6 : i32
      %get3A_221 = arith.constant 0 : i32
      %get3A_222 = tpu.memref_slice %arg8[%get3A_220, %get3A_221] : memref<16x512xf32, #tpu.memory_space<vmem>> -> memref<1x512xf32, #tpu.memory_space<vmem>>
      %get3A_223 = tpu.memref_squeeze %get3A_222 : memref<1x512xf32, #tpu.memory_space<vmem>> -> memref<512xf32, #tpu.memory_space<vmem>>
      %get3A_224 = arith.index_cast %mul3A_10 : i32 to index
      %get3A_225 = tpu.vector_load %get3A_223[%get3A_224] {strides = array<i32>} : memref<512xf32, #tpu.memory_space<vmem>>, vector<16xf32>,
      %get3A_226 = vector.shape_cast %get3A_225 : vector<16xf32> to vector<16xf32>
      %get3A_227 = arith.constant 6 : i32
      %get3A_228 = arith.constant 0 : i32
      %get3A_229 = tpu.memref_slice %arg6[%get3A_227, %get3A_228] : memref<16x512xf32, #tpu.memory_space<vmem>> -> memref<1x512xf32, #tpu.memory_space<vmem>>
      %get3A_230 = tpu.memref_squeeze %get3A_229 : memref<1x512xf32, #tpu.memory_space<vmem>> -> memref<512xf32, #tpu.memory_space<vmem>>
      %get3A_231 = arith.index_cast %mul3A_10 : i32 to index
      %get3A_232 = tpu.vector_load %get3A_230[%get3A_231] {strides = array<i32>} : memref<512xf32, #tpu.memory_space<vmem>>, vector<16xf32>,
      %get3A_233 = vector.shape_cast %get3A_232 : vector<16xf32> to vector<16xf32>
      %mul3A_234 = arith.mulf %get3A_226, %get3A_233 : vector<16xf32>
      %mul3A_235 = arith.constant 1.000000e-01 : f32
      %mul3A_236 = vector.broadcast %mul3A_235 : f32 to vector<16xf32>
      %mul3A_237 = arith.mulf %mul3A_234, %mul3A_236 : vector<16xf32>
      %add3A_238 = arith.addf %get3A_219, %mul3A_237 : vector<16xf32>
      %swap3A_239 = arith.constant 6 : i32
      %swap3A_240 = arith.constant 0 : i32
      %swap3A_241 = tpu.memref_slice %arg8[%swap3A_239, %swap3A_240] : memref<16x512xf32, #tpu.memory_space<vmem>> -> memref<1x512xf32, #tpu.memory_space<vmem>>
      %swap3A_242 = tpu.memref_squeeze %swap3A_241 : memref<1x512xf32, #tpu.memory_space<vmem>> -> memref<512xf32, #tpu.memory_space<vmem>>
      %swap3A_243 = arith.index_cast %mul3A_10 : i32 to index
      %swap3A_244 = tpu.vector_load %swap3A_242[%swap3A_243] {strides = array<i32>} : memref<512xf32, #tpu.memory_space<vmem>>, vector<16xf32>,
      %swap3A_245 = vector.shape_cast %swap3A_244 : vector<16xf32> to vector<16xf32>
      %swap3A_246 = vector.shape_cast %add3A_238 : vector<16xf32> to vector<16xf32>
      tpu.vector_store %swap3A_242[%swap3A_243], %swap3A_246 {strides = array<i32>} : memref<512xf32, #tpu.memory_space<vmem>>, vector<16xf32>,
      %get3A_247 = arith.constant 7 : i32
      %get3A_248 = arith.constant 0 : i32
      %get3A_249 = tpu.memref_slice %arg7[%get3A_247, %get3A_248] : memref<16x512xf32, #tpu.memory_space<vmem>> -> memref<1x512xf32, #tpu.memory_space<vmem>>
      %get3A_250 = tpu.memref_squeeze %get3A_249 : memref<1x512xf32, #tpu.memory_space<vmem>> -> memref<512xf32, #tpu.memory_space<vmem>>
      %get3A_251 = arith.index_cast %mul3A_10 : i32 to index
      %get3A_252 = tpu.vector_load %get3A_250[%get3A_251] {strides = array<i32>} : memref<512xf32, #tpu.memory_space<vmem>>, vector<16xf32>,
      %get3A_253 = vector.shape_cast %get3A_252 : vector<16xf32> to vector<16xf32>
      %get3A_254 = arith.constant 7 : i32
      %get3A_255 = arith.constant 0 : i32
      %get3A_256 = tpu.memref_slice %arg8[%get3A_254, %get3A_255] : memref<16x512xf32, #tpu.memory_space<vmem>> -> memref<1x512xf32, #tpu.memory_space<vmem>>
      %get3A_257 = tpu.memref_squeeze %get3A_256 : memref<1x512xf32, #tpu.memory_space<vmem>> -> memref<512xf32, #tpu.memory_space<vmem>>
      %get3A_258 = arith.index_cast %mul3A_10 : i32 to index
      %get3A_259 = tpu.vector_load %get3A_257[%get3A_258] {strides = array<i32>} : memref<512xf32, #tpu.memory_space<vmem>>, vector<16xf32>,
      %get3A_260 = vector.shape_cast %get3A_259 : vector<16xf32> to vector<16xf32>
      %get3A_261 = arith.constant 7 : i32
      %get3A_262 = arith.constant 0 : i32
      %get3A_263 = tpu.memref_slice %arg6[%get3A_261, %get3A_262] : memref<16x512xf32, #tpu.memory_space<vmem>> -> memref<1x512xf32, #tpu.memory_space<vmem>>
      %get3A_264 = tpu.memref_squeeze %get3A_263 : memref<1x512xf32, #tpu.memory_space<vmem>> -> memref<512xf32, #tpu.memory_space<vmem>>
      %get3A_265 = arith.index_cast %mul3A_10 : i32 to index
      %get3A_266 = tpu.vector_load %get3A_264[%get3A_265] {strides = array<i32>} : memref<512xf32, #tpu.memory_space<vmem>>, vector<16xf32>,
      %get3A_267 = vector.shape_cast %get3A_266 : vector<16xf32> to vector<16xf32>
      %mul3A_268 = arith.mulf %get3A_260, %get3A_267 : vector<16xf32>
      %mul3A_269 = arith.constant 1.000000e-01 : f32
      %mul3A_270 = vector.broadcast %mul3A_269 : f32 to vector<16xf32>
      %mul3A_271 = arith.mulf %mul3A_268, %mul3A_270 : vector<16xf32>
      %add3A_272 = arith.addf %get3A_253, %mul3A_271 : vector<16xf32>
      %swap3A_273 = arith.constant 7 : i32
      %swap3A_274 = arith.constant 0 : i32
      %swap3A_275 = tpu.memref_slice %arg8[%swap3A_273, %swap3A_274] : memref<16x512xf32, #tpu.memory_space<vmem>> -> memref<1x512xf32, #tpu.memory_space<vmem>>
      %swap3A_276 = tpu.memref_squeeze %swap3A_275 : memref<1x512xf32, #tpu.memory_space<vmem>> -> memref<512xf32, #tpu.memory_space<vmem>>
      %swap3A_277 = arith.index_cast %mul3A_10 : i32 to index
      %swap3A_278 = tpu.vector_load %swap3A_276[%swap3A_277] {strides = array<i32>} : memref<512xf32, #tpu.memory_space<vmem>>, vector<16xf32>,
      %swap3A_279 = vector.shape_cast %swap3A_278 : vector<16xf32> to vector<16xf32>
      %swap3A_280 = vector.shape_cast %add3A_272 : vector<16xf32> to vector<16xf32>
      tpu.vector_store %swap3A_276[%swap3A_277], %swap3A_280 {strides = array<i32>} : memref<512xf32, #tpu.memory_space<vmem>>, vector<16xf32>,
      %get3A_281 = arith.constant 8 : i32
      %get3A_282 = arith.constant 0 : i32
      %get3A_283 = tpu.memref_slice %arg7[%get3A_281, %get3A_282] : memref<16x512xf32, #tpu.memory_space<vmem>> -> memref<1x512xf32, #tpu.memory_space<vmem>>
      %get3A_284 = tpu.memref_squeeze %get3A_283 : memref<1x512xf32, #tpu.memory_space<vmem>> -> memref<512xf32, #tpu.memory_space<vmem>>
      %get3A_285 = arith.index_cast %mul3A_10 : i32 to index
      %get3A_286 = tpu.vector_load %get3A_284[%get3A_285] {strides = array<i32>} : memref<512xf32, #tpu.memory_space<vmem>>, vector<16xf32>,
      %get3A_287 = vector.shape_cast %get3A_286 : vector<16xf32> to vector<16xf32>
      %get3A_288 = arith.constant 8 : i32
      %get3A_289 = arith.constant 0 : i32
      %get3A_290 = tpu.memref_slice %arg8[%get3A_288, %get3A_289] : memref<16x512xf32, #tpu.memory_space<vmem>> -> memref<1x512xf32, #tpu.memory_space<vmem>>
      %get3A_291 = tpu.memref_squeeze %get3A_290 : memref<1x512xf32, #tpu.memory_space<vmem>> -> memref<512xf32, #tpu.memory_space<vmem>>
      %get3A_292 = arith.index_cast %mul3A_10 : i32 to index
      %get3A_293 = tpu.vector_load %get3A_291[%get3A_292] {strides = array<i32>} : memref<512xf32, #tpu.memory_space<vmem>>, vector<16xf32>,
      %get3A_294 = vector.shape_cast %get3A_293 : vector<16xf32> to vector<16xf32>
      %get3A_295 = arith.constant 8 : i32
      %get3A_296 = arith.constant 0 : i32
      %get3A_297 = tpu.memref_slice %arg6[%get3A_295, %get3A_296] : memref<16x512xf32, #tpu.memory_space<vmem>> -> memref<1x512xf32, #tpu.memory_space<vmem>>
      %get3A_298 = tpu.memref_squeeze %get3A_297 : memref<1x512xf32, #tpu.memory_space<vmem>> -> memref<512xf32, #tpu.memory_space<vmem>>
      %get3A_299 = arith.index_cast %mul3A_10 : i32 to index
      %get3A_300 = tpu.vector_load %get3A_298[%get3A_299] {strides = array<i32>} : memref<512xf32, #tpu.memory_space<vmem>>, vector<16xf32>,
      %get3A_301 = vector.shape_cast %get3A_300 : vector<16xf32> to vector<16xf32>
      %mul3A_302 = arith.mulf %get3A_294, %get3A_301 : vector<16xf32>
      %mul3A_303 = arith.constant 1.000000e-01 : f32
      %mul3A_304 = vector.broadcast %mul3A_303 : f32 to vector<16xf32>
      %mul3A_305 = arith.mulf %mul3A_302, %mul3A_304 : vector<16xf32>
      %add3A_306 = arith.addf %get3A_287, %mul3A_305 : vector<16xf32>
      %swap3A_307 = arith.constant 8 : i32
      %swap3A_308 = arith.constant 0 : i32
      %swap3A_309 = tpu.memref_slice %arg8[%swap3A_307, %swap3A_308] : memref<16x512xf32, #tpu.memory_space<vmem>> -> memref<1x512xf32, #tpu.memory_space<vmem>>
      %swap3A_310 = tpu.memref_squeeze %swap3A_309 : memref<1x512xf32, #tpu.memory_space<vmem>> -> memref<512xf32, #tpu.memory_space<vmem>>
      %swap3A_311 = arith.index_cast %mul3A_10 : i32 to index
      %swap3A_312 = tpu.vector_load %swap3A_310[%swap3A_311] {strides = array<i32>} : memref<512xf32, #tpu.memory_space<vmem>>, vector<16xf32>,
      %swap3A_313 = vector.shape_cast %swap3A_312 : vector<16xf32> to vector<16xf32>
      %swap3A_314 = vector.shape_cast %add3A_306 : vector<16xf32> to vector<16xf32>
      tpu.vector_store %swap3A_310[%swap3A_311], %swap3A_314 {strides = array<i32>} : memref<512xf32, #tpu.memory_space<vmem>>, vector<16xf32>,
      %get3A_315 = arith.constant 9 : i32
      %get3A_316 = arith.constant 0 : i32
      %get3A_317 = tpu.memref_slice %arg7[%get3A_315, %get3A_316] : memref<16x512xf32, #tpu.memory_space<vmem>> -> memref<1x512xf32, #tpu.memory_space<vmem>>
      %get3A_318 = tpu.memref_squeeze %get3A_317 : memref<1x512xf32, #tpu.memory_space<vmem>> -> memref<512xf32, #tpu.memory_space<vmem>>
      %get3A_319 = arith.index_cast %mul3A_10 : i32 to index
      %get3A_320 = tpu.vector_load %get3A_318[%get3A_319] {strides = array<i32>} : memref<512xf32, #tpu.memory_space<vmem>>, vector<16xf32>,
      %get3A_321 = vector.shape_cast %get3A_320 : vector<16xf32> to vector<16xf32>
      %get3A_322 = arith.constant 9 : i32
      %get3A_323 = arith.constant 0 : i32
      %get3A_324 = tpu.memref_slice %arg8[%get3A_322, %get3A_323] : memref<16x512xf32, #tpu.memory_space<vmem>> -> memref<1x512xf32, #tpu.memory_space<vmem>>
      %get3A_325 = tpu.memref_squeeze %get3A_324 : memref<1x512xf32, #tpu.memory_space<vmem>> -> memref<512xf32, #tpu.memory_space<vmem>>
      %get3A_326 = arith.index_cast %mul3A_10 : i32 to index
      %get3A_327 = tpu.vector_load %get3A_325[%get3A_326] {strides = array<i32>} : memref<512xf32, #tpu.memory_space<vmem>>, vector<16xf32>,
      %get3A_328 = vector.shape_cast %get3A_327 : vector<16xf32> to vector<16xf32>
      %get3A_329 = arith.constant 9 : i32
      %get3A_330 = arith.constant 0 : i32
      %get3A_331 = tpu.memref_slice %arg6[%get3A_329, %get3A_330] : memref<16x512xf32, #tpu.memory_space<vmem>> -> memref<1x512xf32, #tpu.memory_space<vmem>>
      %get3A_332 = tpu.memref_squeeze %get3A_331 : memref<1x512xf32, #tpu.memory_space<vmem>> -> memref<512xf32, #tpu.memory_space<vmem>>
      %get3A_333 = arith.index_cast %mul3A_10 : i32 to index
      %get3A_334 = tpu.vector_load %get3A_332[%get3A_333] {strides = array<i32>} : memref<512xf32, #tpu.memory_space<vmem>>, vector<16xf32>,
      %get3A_335 = vector.shape_cast %get3A_334 : vector<16xf32> to vector<16xf32>
      %mul3A_336 = arith.mulf %get3A_328, %get3A_335 : vector<16xf32>
      %mul3A_337 = arith.constant 1.000000e-01 : f32
      %mul3A_338 = vector.broadcast %mul3A_337 : f32 to vector<16xf32>
      %mul3A_339 = arith.mulf %mul3A_336, %mul3A_338 : vector<16xf32>
      %add3A_340 = arith.addf %get3A_321, %mul3A_339 : vector<16xf32>
      %swap3A_341 = arith.constant 9 : i32
      %swap3A_342 = arith.constant 0 : i32
      %swap3A_343 = tpu.memref_slice %arg8[%swap3A_341, %swap3A_342] : memref<16x512xf32, #tpu.memory_space<vmem>> -> memref<1x512xf32, #tpu.memory_space<vmem>>
      %swap3A_344 = tpu.memref_squeeze %swap3A_343 : memref<1x512xf32, #tpu.memory_space<vmem>> -> memref<512xf32, #tpu.memory_space<vmem>>
      %swap3A_345 = arith.index_cast %mul3A_10 : i32 to index
      %swap3A_346 = tpu.vector_load %swap3A_344[%swap3A_345] {strides = array<i32>} : memref<512xf32, #tpu.memory_space<vmem>>, vector<16xf32>,
      %swap3A_347 = vector.shape_cast %swap3A_346 : vector<16xf32> to vector<16xf32>
      %swap3A_348 = vector.shape_cast %add3A_340 : vector<16xf32> to vector<16xf32>
      tpu.vector_store %swap3A_344[%swap3A_345], %swap3A_348 {strides = array<i32>} : memref<512xf32, #tpu.memory_space<vmem>>, vector<16xf32>,
      %get3A_349 = arith.constant 10 : i32
      %get3A_350 = arith.constant 0 : i32
      %get3A_351 = tpu.memref_slice %arg7[%get3A_349, %get3A_350] : memref<16x512xf32, #tpu.memory_space<vmem>> -> memref<1x512xf32, #tpu.memory_space<vmem>>
      %get3A_352 = tpu.memref_squeeze %get3A_351 : memref<1x512xf32, #tpu.memory_space<vmem>> -> memref<512xf32, #tpu.memory_space<vmem>>
      %get3A_353 = arith.index_cast %mul3A_10 : i32 to index
      %get3A_354 = tpu.vector_load %get3A_352[%get3A_353] {strides = array<i32>} : memref<512xf32, #tpu.memory_space<vmem>>, vector<16xf32>,
      %get3A_355 = vector.shape_cast %get3A_354 : vector<16xf32> to vector<16xf32>
      %get3A_356 = arith.constant 10 : i32
      %get3A_357 = arith.constant 0 : i32
      %get3A_358 = tpu.memref_slice %arg8[%get3A_356, %get3A_357] : memref<16x512xf32, #tpu.memory_space<vmem>> -> memref<1x512xf32, #tpu.memory_space<vmem>>
      %get3A_359 = tpu.memref_squeeze %get3A_358 : memref<1x512xf32, #tpu.memory_space<vmem>> -> memref<512xf32, #tpu.memory_space<vmem>>
      %get3A_360 = arith.index_cast %mul3A_10 : i32 to index
      %get3A_361 = tpu.vector_load %get3A_359[%get3A_360] {strides = array<i32>} : memref<512xf32, #tpu.memory_space<vmem>>, vector<16xf32>,
      %get3A_362 = vector.shape_cast %get3A_361 : vector<16xf32> to vector<16xf32>
      %get3A_363 = arith.constant 10 : i32
      %get3A_364 = arith.constant 0 : i32
      %get3A_365 = tpu.memref_slice %arg6[%get3A_363, %get3A_364] : memref<16x512xf32, #tpu.memory_space<vmem>> -> memref<1x512xf32, #tpu.memory_space<vmem>>
      %get3A_366 = tpu.memref_squeeze %get3A_365 : memref<1x512xf32, #tpu.memory_space<vmem>> -> memref<512xf32, #tpu.memory_space<vmem>>
      %get3A_367 = arith.index_cast %mul3A_10 : i32 to index
      %get3A_368 = tpu.vector_load %get3A_366[%get3A_367] {strides = array<i32>} : memref<512xf32, #tpu.memory_space<vmem>>, vector<16xf32>,
      %get3A_369 = vector.shape_cast %get3A_368 : vector<16xf32> to vector<16xf32>
      %mul3A_370 = arith.mulf %get3A_362, %get3A_369 : vector<16xf32>
      %mul3A_371 = arith.constant 1.000000e-01 : f32
      %mul3A_372 = vector.broadcast %mul3A_371 : f32 to vector<16xf32>
      %mul3A_373 = arith.mulf %mul3A_370, %mul3A_372 : vector<16xf32>
      %add3A_374 = arith.addf %get3A_355, %mul3A_373 : vector<16xf32>
      %swap3A_375 = arith.constant 10 : i32
      %swap3A_376 = arith.constant 0 : i32
      %swap3A_377 = tpu.memref_slice %arg8[%swap3A_375, %swap3A_376] : memref<16x512xf32, #tpu.memory_space<vmem>> -> memref<1x512xf32, #tpu.memory_space<vmem>>
      %swap3A_378 = tpu.memref_squeeze %swap3A_377 : memref<1x512xf32, #tpu.memory_space<vmem>> -> memref<512xf32, #tpu.memory_space<vmem>>
      %swap3A_379 = arith.index_cast %mul3A_10 : i32 to index
      %swap3A_380 = tpu.vector_load %swap3A_378[%swap3A_379] {strides = array<i32>} : memref<512xf32, #tpu.memory_space<vmem>>, vector<16xf32>,
      %swap3A_381 = vector.shape_cast %swap3A_380 : vector<16xf32> to vector<16xf32>
      %swap3A_382 = vector.shape_cast %add3A_374 : vector<16xf32> to vector<16xf32>
      tpu.vector_store %swap3A_378[%swap3A_379], %swap3A_382 {strides = array<i32>} : memref<512xf32, #tpu.memory_space<vmem>>, vector<16xf32>,
      %get3A_383 = arith.constant 11 : i32
      %get3A_384 = arith.constant 0 : i32
      %get3A_385 = tpu.memref_slice %arg7[%get3A_383, %get3A_384] : memref<16x512xf32, #tpu.memory_space<vmem>> -> memref<1x512xf32, #tpu.memory_space<vmem>>
      %get3A_386 = tpu.memref_squeeze %get3A_385 : memref<1x512xf32, #tpu.memory_space<vmem>> -> memref<512xf32, #tpu.memory_space<vmem>>
      %get3A_387 = arith.index_cast %mul3A_10 : i32 to index
      %get3A_388 = tpu.vector_load %get3A_386[%get3A_387] {strides = array<i32>} : memref<512xf32, #tpu.memory_space<vmem>>, vector<16xf32>,
      %get3A_389 = vector.shape_cast %get3A_388 : vector<16xf32> to vector<16xf32>
      %get3A_390 = arith.constant 11 : i32
      %get3A_391 = arith.constant 0 : i32
      %get3A_392 = tpu.memref_slice %arg8[%get3A_390, %get3A_391] : memref<16x512xf32, #tpu.memory_space<vmem>> -> memref<1x512xf32, #tpu.memory_space<vmem>>
      %get3A_393 = tpu.memref_squeeze %get3A_392 : memref<1x512xf32, #tpu.memory_space<vmem>> -> memref<512xf32, #tpu.memory_space<vmem>>
      %get3A_394 = arith.index_cast %mul3A_10 : i32 to index
      %get3A_395 = tpu.vector_load %get3A_393[%get3A_394] {strides = array<i32>} : memref<512xf32, #tpu.memory_space<vmem>>, vector<16xf32>,
      %get3A_396 = vector.shape_cast %get3A_395 : vector<16xf32> to vector<16xf32>
      %get3A_397 = arith.constant 11 : i32
      %get3A_398 = arith.constant 0 : i32
      %get3A_399 = tpu.memref_slice %arg6[%get3A_397, %get3A_398] : memref<16x512xf32, #tpu.memory_space<vmem>> -> memref<1x512xf32, #tpu.memory_space<vmem>>
      %get3A_400 = tpu.memref_squeeze %get3A_399 : memref<1x512xf32, #tpu.memory_space<vmem>> -> memref<512xf32, #tpu.memory_space<vmem>>
      %get3A_401 = arith.index_cast %mul3A_10 : i32 to index
      %get3A_402 = tpu.vector_load %get3A_400[%get3A_401] {strides = array<i32>} : memref<512xf32, #tpu.memory_space<vmem>>, vector<16xf32>,
      %get3A_403 = vector.shape_cast %get3A_402 : vector<16xf32> to vector<16xf32>
      %mul3A_404 = arith.mulf %get3A_396, %get3A_403 : vector<16xf32>
      %mul3A_405 = arith.constant 1.000000e-01 : f32
      %mul3A_406 = vector.broadcast %mul3A_405 : f32 to vector<16xf32>
      %mul3A_407 = arith.mulf %mul3A_404, %mul3A_406 : vector<16xf32>
      %add3A_408 = arith.addf %get3A_389, %mul3A_407 : vector<16xf32>
      %swap3A_409 = arith.constant 11 : i32
      %swap3A_410 = arith.constant 0 : i32
      %swap3A_411 = tpu.memref_slice %arg8[%swap3A_409, %swap3A_410] : memref<16x512xf32, #tpu.memory_space<vmem>> -> memref<1x512xf32, #tpu.memory_space<vmem>>
      %swap3A_412 = tpu.memref_squeeze %swap3A_411 : memref<1x512xf32, #tpu.memory_space<vmem>> -> memref<512xf32, #tpu.memory_space<vmem>>
      %swap3A_413 = arith.index_cast %mul3A_10 : i32 to index
      %swap3A_414 = tpu.vector_load %swap3A_412[%swap3A_413] {strides = array<i32>} : memref<512xf32, #tpu.memory_space<vmem>>, vector<16xf32>,
      %swap3A_415 = vector.shape_cast %swap3A_414 : vector<16xf32> to vector<16xf32>
      %swap3A_416 = vector.shape_cast %add3A_408 : vector<16xf32> to vector<16xf32>
      tpu.vector_store %swap3A_412[%swap3A_413], %swap3A_416 {strides = array<i32>} : memref<512xf32, #tpu.memory_space<vmem>>, vector<16xf32>,
      %get3A_417 = arith.constant 12 : i32
      %get3A_418 = arith.constant 0 : i32
      %get3A_419 = tpu.memref_slice %arg7[%get3A_417, %get3A_418] : memref<16x512xf32, #tpu.memory_space<vmem>> -> memref<1x512xf32, #tpu.memory_space<vmem>>
      %get3A_420 = tpu.memref_squeeze %get3A_419 : memref<1x512xf32, #tpu.memory_space<vmem>> -> memref<512xf32, #tpu.memory_space<vmem>>
      %get3A_421 = arith.index_cast %mul3A_10 : i32 to index
      %get3A_422 = tpu.vector_load %get3A_420[%get3A_421] {strides = array<i32>} : memref<512xf32, #tpu.memory_space<vmem>>, vector<16xf32>,
      %get3A_423 = vector.shape_cast %get3A_422 : vector<16xf32> to vector<16xf32>
      %get3A_424 = arith.constant 12 : i32
      %get3A_425 = arith.constant 0 : i32
      %get3A_426 = tpu.memref_slice %arg8[%get3A_424, %get3A_425] : memref<16x512xf32, #tpu.memory_space<vmem>> -> memref<1x512xf32, #tpu.memory_space<vmem>>
      %get3A_427 = tpu.memref_squeeze %get3A_426 : memref<1x512xf32, #tpu.memory_space<vmem>> -> memref<512xf32, #tpu.memory_space<vmem>>
      %get3A_428 = arith.index_cast %mul3A_10 : i32 to index
      %get3A_429 = tpu.vector_load %get3A_427[%get3A_428] {strides = array<i32>} : memref<512xf32, #tpu.memory_space<vmem>>, vector<16xf32>,
      %get3A_430 = vector.shape_cast %get3A_429 : vector<16xf32> to vector<16xf32>
      %get3A_431 = arith.constant 12 : i32
      %get3A_432 = arith.constant 0 : i32
      %get3A_433 = tpu.memref_slice %arg6[%get3A_431, %get3A_432] : memref<16x512xf32, #tpu.memory_space<vmem>> -> memref<1x512xf32, #tpu.memory_space<vmem>>
      %get3A_434 = tpu.memref_squeeze %get3A_433 : memref<1x512xf32, #tpu.memory_space<vmem>> -> memref<512xf32, #tpu.memory_space<vmem>>
      %get3A_435 = arith.index_cast %mul3A_10 : i32 to index
      %get3A_436 = tpu.vector_load %get3A_434[%get3A_435] {strides = array<i32>} : memref<512xf32, #tpu.memory_space<vmem>>, vector<16xf32>,
      %get3A_437 = vector.shape_cast %get3A_436 : vector<16xf32> to vector<16xf32>
      %mul3A_438 = arith.mulf %get3A_430, %get3A_437 : vector<16xf32>
      %mul3A_439 = arith.constant 1.000000e-01 : f32
      %mul3A_440 = vector.broadcast %mul3A_439 : f32 to vector<16xf32>
      %mul3A_441 = arith.mulf %mul3A_438, %mul3A_440 : vector<16xf32>
      %add3A_442 = arith.addf %get3A_423, %mul3A_441 : vector<16xf32>
      %swap3A_443 = arith.constant 12 : i32
      %swap3A_444 = arith.constant 0 : i32
      %swap3A_445 = tpu.memref_slice %arg8[%swap3A_443, %swap3A_444] : memref<16x512xf32, #tpu.memory_space<vmem>> -> memref<1x512xf32, #tpu.memory_space<vmem>>
      %swap3A_446 = tpu.memref_squeeze %swap3A_445 : memref<1x512xf32, #tpu.memory_space<vmem>> -> memref<512xf32, #tpu.memory_space<vmem>>
      %swap3A_447 = arith.index_cast %mul3A_10 : i32 to index
      %swap3A_448 = tpu.vector_load %swap3A_446[%swap3A_447] {strides = array<i32>} : memref<512xf32, #tpu.memory_space<vmem>>, vector<16xf32>,
      %swap3A_449 = vector.shape_cast %swap3A_448 : vector<16xf32> to vector<16xf32>
      %swap3A_450 = vector.shape_cast %add3A_442 : vector<16xf32> to vector<16xf32>
      tpu.vector_store %swap3A_446[%swap3A_447], %swap3A_450 {strides = array<i32>} : memref<512xf32, #tpu.memory_space<vmem>>, vector<16xf32>,
      %get3A_451 = arith.constant 13 : i32
      %get3A_452 = arith.constant 0 : i32
      %get3A_453 = tpu.memref_slice %arg7[%get3A_451, %get3A_452] : memref<16x512xf32, #tpu.memory_space<vmem>> -> memref<1x512xf32, #tpu.memory_space<vmem>>
      %get3A_454 = tpu.memref_squeeze %get3A_453 : memref<1x512xf32, #tpu.memory_space<vmem>> -> memref<512xf32, #tpu.memory_space<vmem>>
      %get3A_455 = arith.index_cast %mul3A_10 : i32 to index
      %get3A_456 = tpu.vector_load %get3A_454[%get3A_455] {strides = array<i32>} : memref<512xf32, #tpu.memory_space<vmem>>, vector<16xf32>,
      %get3A_457 = vector.shape_cast %get3A_456 : vector<16xf32> to vector<16xf32>
      %get3A_458 = arith.constant 13 : i32
      %get3A_459 = arith.constant 0 : i32
      %get3A_460 = tpu.memref_slice %arg8[%get3A_458, %get3A_459] : memref<16x512xf32, #tpu.memory_space<vmem>> -> memref<1x512xf32, #tpu.memory_space<vmem>>
      %get3A_461 = tpu.memref_squeeze %get3A_460 : memref<1x512xf32, #tpu.memory_space<vmem>> -> memref<512xf32, #tpu.memory_space<vmem>>
      %get3A_462 = arith.index_cast %mul3A_10 : i32 to index
      %get3A_463 = tpu.vector_load %get3A_461[%get3A_462] {strides = array<i32>} : memref<512xf32, #tpu.memory_space<vmem>>, vector<16xf32>,
      %get3A_464 = vector.shape_cast %get3A_463 : vector<16xf32> to vector<16xf32>
      %get3A_465 = arith.constant 13 : i32
      %get3A_466 = arith.constant 0 : i32
      %get3A_467 = tpu.memref_slice %arg6[%get3A_465, %get3A_466] : memref<16x512xf32, #tpu.memory_space<vmem>> -> memref<1x512xf32, #tpu.memory_space<vmem>>
      %get3A_468 = tpu.memref_squeeze %get3A_467 : memref<1x512xf32, #tpu.memory_space<vmem>> -> memref<512xf32, #tpu.memory_space<vmem>>
      %get3A_469 = arith.index_cast %mul3A_10 : i32 to index
      %get3A_470 = tpu.vector_load %get3A_468[%get3A_469] {strides = array<i32>} : memref<512xf32, #tpu.memory_space<vmem>>, vector<16xf32>,
      %get3A_471 = vector.shape_cast %get3A_470 : vector<16xf32> to vector<16xf32>
      %mul3A_472 = arith.mulf %get3A_464, %get3A_471 : vector<16xf32>
      %mul3A_473 = arith.constant 1.000000e-01 : f32
      %mul3A_474 = vector.broadcast %mul3A_473 : f32 to vector<16xf32>
      %mul3A_475 = arith.mulf %mul3A_472, %mul3A_474 : vector<16xf32>
      %add3A_476 = arith.addf %get3A_457, %mul3A_475 : vector<16xf32>
      %swap3A_477 = arith.constant 13 : i32
      %swap3A_478 = arith.constant 0 : i32
      %swap3A_479 = tpu.memref_slice %arg8[%swap3A_477, %swap3A_478] : memref<16x512xf32, #tpu.memory_space<vmem>> -> memref<1x512xf32, #tpu.memory_space<vmem>>
      %swap3A_480 = tpu.memref_squeeze %swap3A_479 : memref<1x512xf32, #tpu.memory_space<vmem>> -> memref<512xf32, #tpu.memory_space<vmem>>
      %swap3A_481 = arith.index_cast %mul3A_10 : i32 to index
      %swap3A_482 = tpu.vector_load %swap3A_480[%swap3A_481] {strides = array<i32>} : memref<512xf32, #tpu.memory_space<vmem>>, vector<16xf32>,
      %swap3A_483 = vector.shape_cast %swap3A_482 : vector<16xf32> to vector<16xf32>
      %swap3A_484 = vector.shape_cast %add3A_476 : vector<16xf32> to vector<16xf32>
      tpu.vector_store %swap3A_480[%swap3A_481], %swap3A_484 {strides = array<i32>} : memref<512xf32, #tpu.memory_space<vmem>>, vector<16xf32>,
      %get3A_485 = arith.constant 14 : i32
      %get3A_486 = arith.constant 0 : i32
      %get3A_487 = tpu.memref_slice %arg7[%get3A_485, %get3A_486] : memref<16x512xf32, #tpu.memory_space<vmem>> -> memref<1x512xf32, #tpu.memory_space<vmem>>
      %get3A_488 = tpu.memref_squeeze %get3A_487 : memref<1x512xf32, #tpu.memory_space<vmem>> -> memref<512xf32, #tpu.memory_space<vmem>>
      %get3A_489 = arith.index_cast %mul3A_10 : i32 to index
      %get3A_490 = tpu.vector_load %get3A_488[%get3A_489] {strides = array<i32>} : memref<512xf32, #tpu.memory_space<vmem>>, vector<16xf32>,
      %get3A_491 = vector.shape_cast %get3A_490 : vector<16xf32> to vector<16xf32>
      %get3A_492 = arith.constant 14 : i32
      %get3A_493 = arith.constant 0 : i32
      %get3A_494 = tpu.memref_slice %arg8[%get3A_492, %get3A_493] : memref<16x512xf32, #tpu.memory_space<vmem>> -> memref<1x512xf32, #tpu.memory_space<vmem>>
      %get3A_495 = tpu.memref_squeeze %get3A_494 : memref<1x512xf32, #tpu.memory_space<vmem>> -> memref<512xf32, #tpu.memory_space<vmem>>
      %get3A_496 = arith.index_cast %mul3A_10 : i32 to index
      %get3A_497 = tpu.vector_load %get3A_495[%get3A_496] {strides = array<i32>} : memref<512xf32, #tpu.memory_space<vmem>>, vector<16xf32>,
      %get3A_498 = vector.shape_cast %get3A_497 : vector<16xf32> to vector<16xf32>
      %get3A_499 = arith.constant 14 : i32
      %get3A_500 = arith.constant 0 : i32
      %get3A_501 = tpu.memref_slice %arg6[%get3A_499, %get3A_500] : memref<16x512xf32, #tpu.memory_space<vmem>> -> memref<1x512xf32, #tpu.memory_space<vmem>>
      %get3A_502 = tpu.memref_squeeze %get3A_501 : memref<1x512xf32, #tpu.memory_space<vmem>> -> memref<512xf32, #tpu.memory_space<vmem>>
      %get3A_503 = arith.index_cast %mul3A_10 : i32 to index
      %get3A_504 = tpu.vector_load %get3A_502[%get3A_503] {strides = array<i32>} : memref<512xf32, #tpu.memory_space<vmem>>, vector<16xf32>,
      %get3A_505 = vector.shape_cast %get3A_504 : vector<16xf32> to vector<16xf32>
      %mul3A_506 = arith.mulf %get3A_498, %get3A_505 : vector<16xf32>
      %mul3A_507 = arith.constant 1.000000e-01 : f32
      %mul3A_508 = vector.broadcast %mul3A_507 : f32 to vector<16xf32>
      %mul3A_509 = arith.mulf %mul3A_506, %mul3A_508 : vector<16xf32>
      %add3A_510 = arith.addf %get3A_491, %mul3A_509 : vector<16xf32>
      %swap3A_511 = arith.constant 14 : i32
      %swap3A_512 = arith.constant 0 : i32
      %swap3A_513 = tpu.memref_slice %arg8[%swap3A_511, %swap3A_512] : memref<16x512xf32, #tpu.memory_space<vmem>> -> memref<1x512xf32, #tpu.memory_space<vmem>>
      %swap3A_514 = tpu.memref_squeeze %swap3A_513 : memref<1x512xf32, #tpu.memory_space<vmem>> -> memref<512xf32, #tpu.memory_space<vmem>>
      %swap3A_515 = arith.index_cast %mul3A_10 : i32 to index
      %swap3A_516 = tpu.vector_load %swap3A_514[%swap3A_515] {strides = array<i32>} : memref<512xf32, #tpu.memory_space<vmem>>, vector<16xf32>,
      %swap3A_517 = vector.shape_cast %swap3A_516 : vector<16xf32> to vector<16xf32>
      %swap3A_518 = vector.shape_cast %add3A_510 : vector<16xf32> to vector<16xf32>
      tpu.vector_store %swap3A_514[%swap3A_515], %swap3A_518 {strides = array<i32>} : memref<512xf32, #tpu.memory_space<vmem>>, vector<16xf32>,
      %get3A_519 = arith.constant 15 : i32
      %get3A_520 = arith.constant 0 : i32
      %get3A_521 = tpu.memref_slice %arg7[%get3A_519, %get3A_520] : memref<16x512xf32, #tpu.memory_space<vmem>> -> memref<1x512xf32, #tpu.memory_space<vmem>>
      %get3A_522 = tpu.memref_squeeze %get3A_521 : memref<1x512xf32, #tpu.memory_space<vmem>> -> memref<512xf32, #tpu.memory_space<vmem>>
      %get3A_523 = arith.index_cast %mul3A_10 : i32 to index
      %get3A_524 = tpu.vector_load %get3A_522[%get3A_523] {strides = array<i32>} : memref<512xf32, #tpu.memory_space<vmem>>, vector<16xf32>,
      %get3A_525 = vector.shape_cast %get3A_524 : vector<16xf32> to vector<16xf32>
      %get3A_526 = arith.constant 15 : i32
      %get3A_527 = arith.constant 0 : i32
      %get3A_528 = tpu.memref_slice %arg8[%get3A_526, %get3A_527] : memref<16x512xf32, #tpu.memory_space<vmem>> -> memref<1x512xf32, #tpu.memory_space<vmem>>
      %get3A_529 = tpu.memref_squeeze %get3A_528 : memref<1x512xf32, #tpu.memory_space<vmem>> -> memref<512xf32, #tpu.memory_space<vmem>>
      %get3A_530 = arith.index_cast %mul3A_10 : i32 to index
      %get3A_531 = tpu.vector_load %get3A_529[%get3A_530] {strides = array<i32>} : memref<512xf32, #tpu.memory_space<vmem>>, vector<16xf32>,
      %get3A_532 = vector.shape_cast %get3A_531 : vector<16xf32> to vector<16xf32>
      %get3A_533 = arith.constant 15 : i32
      %get3A_534 = arith.constant 0 : i32
      %get3A_535 = tpu.memref_slice %arg6[%get3A_533, %get3A_534] : memref<16x512xf32, #tpu.memory_space<vmem>> -> memref<1x512xf32, #tpu.memory_space<vmem>>
      %get3A_536 = tpu.memref_squeeze %get3A_535 : memref<1x512xf32, #tpu.memory_space<vmem>> -> memref<512xf32, #tpu.memory_space<vmem>>
      %get3A_537 = arith.index_cast %mul3A_10 : i32 to index
      %get3A_538 = tpu.vector_load %get3A_536[%get3A_537] {strides = array<i32>} : memref<512xf32, #tpu.memory_space<vmem>>, vector<16xf32>,
      %get3A_539 = vector.shape_cast %get3A_538 : vector<16xf32> to vector<16xf32>
      %mul3A_540 = arith.mulf %get3A_532, %get3A_539 : vector<16xf32>
      %mul3A_541 = arith.constant 1.000000e-01 : f32
      %mul3A_542 = vector.broadcast %mul3A_541 : f32 to vector<16xf32>
      %mul3A_543 = arith.mulf %mul3A_540, %mul3A_542 : vector<16xf32>
      %add3A_544 = arith.addf %get3A_525, %mul3A_543 : vector<16xf32>
      %swap3A_545 = arith.constant 15 : i32
      %swap3A_546 = arith.constant 0 : i32
      %swap3A_547 = tpu.memref_slice %arg8[%swap3A_545, %swap3A_546] : memref<16x512xf32, #tpu.memory_space<vmem>> -> memref<1x512xf32, #tpu.memory_space<vmem>>
      %swap3A_548 = tpu.memref_squeeze %swap3A_547 : memref<1x512xf32, #tpu.memory_space<vmem>> -> memref<512xf32, #tpu.memory_space<vmem>>
      %swap3A_549 = arith.index_cast %mul3A_10 : i32 to index
      %swap3A_550 = tpu.vector_load %swap3A_548[%swap3A_549] {strides = array<i32>} : memref<512xf32, #tpu.memory_space<vmem>>, vector<16xf32>,
      %swap3A_551 = vector.shape_cast %swap3A_550 : vector<16xf32> to vector<16xf32>
      %swap3A_552 = vector.shape_cast %add3A_544 : vector<16xf32> to vector<16xf32>
      tpu.vector_store %swap3A_548[%swap3A_549], %swap3A_552 {strides = array<i32>} : memref<512xf32, #tpu.memory_space<vmem>>, vector<16xf32>,
    }
    %scan3A_7 = arith.constant 32 : i32
    "tpu.region"() ({
      %run_scoped3A = tpu.sem_alloc : memref<!tpu.dma_semaphore, #tpu.memory_space<semaphore_mem>>
      %dma_start3A = arith.constant 0 : i32
      %dma_start3A_8 = tpu.memref_slice %arg5[%dma_start3A, %mul3A_2] : memref<16x16384xf32, #tpu.memory_space<hbm>> -> memref<16x512xf32, #tpu.memory_space<hbm>>
      %dma_start3A_9 = arith.constant 0 : i32
      %dma_start3A_10 = tpu.memref_slice %arg5[%dma_start3A_9, %mul3A_2] : memref<16x16384xf32, #tpu.memory_space<hbm>> -> memref<16x512xf32, #tpu.memory_space<hbm>>
      tpu.enqueue_dma source(%arg8 : memref<16x512xf32, #tpu.memory_space<vmem>>) target(%dma_start3A_10 : memref<16x512xf32, #tpu.memory_space<hbm>>) target_semaphore(%run_scoped3A : memref<!tpu.dma_semaphore, #tpu.memory_space<semaphore_mem>>)
      %dma_wait3A = arith.constant 0 : i32
      %dma_wait3A_11 = tpu.memref_slice %arg5[%dma_wait3A, %mul3A_2] : memref<16x16384xf32, #tpu.memory_space<hbm>> -> memref<16x512xf32, #tpu.memory_space<hbm>>
      %dma_wait3A_12 = arith.constant 0 : i32
      %dma_wait3A_13 = tpu.memref_slice %arg5[%dma_wait3A_12, %mul3A_2] : memref<16x16384xf32, #tpu.memory_space<hbm>> -> memref<16x512xf32, #tpu.memory_space<hbm>>
      tpu.wait_dma2 semaphore(%run_scoped3A : memref<!tpu.dma_semaphore, #tpu.memory_space<semaphore_mem>>) src(%arg8 : memref<16x512xf32, #tpu.memory_space<vmem>>) dst(%dma_wait3A_13 : memref<16x512xf32, #tpu.memory_space<hbm>>)
      tpu.yield
    }) : () -> ()
    return
  }
}

</mosaic_0001>

<sc_bundles>
// kernel: kernel.4.cloned.1.call-start
scs
__scs_entry_jumppad:
0x0: {  	(pc) =	sbr.rel $0x88, $3  }
0x1: {  	(tag) =	ssettag $0x0;
	lr =	simm.s32 $0x1  }
0x2: {  	[smem:$0x3F9D] =	sst lr;
	_ =	strace $0xD0000000  }
0x3: {  	_ = 	snop  }
0x4: {  	_ = 	snop  }
0x5: {  	_ = 	snop  }
0x6: {  	_ = 	snop  }
0x7: {  	_ = 	snop  }
__scs_overlays_trampoline_lowered:
0x8: {  	[smem:$0x3FAC] =	sst s0  }
0x9: {  	[smem:$0x3FAD] =	sst s1  }
0xa: {  	[smem:$0x3FAE] =	sst s2  }
0xb: {  	[smem:$0x3FAF] =	sst s3  }
0xc: {  	[smem:$0x3FB0] =	sst s4  }
0xd: {  	[smem:$0x3FB1] =	sst s5  }
0xe: {  	[smem:$0x3FB2] =	sst s6  }
0xf: {  	[smem:$0x3FB3] =	sst s7  }
0x10: {  	[smem:$0x3FB4] =	sst s8  }
0x11: {  	[smem:$0x3FB5] =	sst s9;
	s0 =	simm.s32 @!p0 $0x0  }
0x12: {  	s1 =	sld [smem:$0x3F9B];
	s0 =	simm.s32 @p0 $0x1  }
0x13: {  	[smem:$0x3FB6] =	sst s0;
	s0 =	simm.s32 @!p1 $0x0  }
0x14: {  	s2 =	sld [smem:$0x3F9A];
	s0 =	simm.s32 @p1 $0x1  }
0x15: {  	[smem:$0x3FB7] =	sst s0;
	s0 =	simm.s32 @!p2 $0x0  }
0x16: {  	s3 =	sld [smem:$0x3FDB];
	s0 =	simm.s32 @p2 $0x1  }
0x17: {  	s4 =	simm.s32 $0x1BF5;
	[smem:$0x3FB9] =	sst s0  }
0x18: {  	s0 =	sld [smem:$0x3F9C];
	_ =	swait.ge [sflag:s4], $0x0  }
0x19: {  	s7 =	sld [smem:$0x3F9D]  }
0x1a: {  	s8 =	sadd.s32 $0xFFFFE003, lr  }
0x1b: {  	s9 =	sadd.s32 $0xFFFFFEF7, lr;
	s5 =	simm.s32 $0xFFFFFFFF;
	p2 =	slt.u32 s8, $0xFFFFF086  }
0x1c: {  	p1 =	slt.u32 s9, $0xF7A;
	s5 =	simm.s32 @!p2 $0x0  }
0x1d: {  	s5 =	simm.s32 @p1 $0x1;
	p0 =	seq.s32 s7, s2  }
0x1e: {  	s7 =	smul.u32 @!p0 $0xF7A, s2;
	p2 =	seq.s32 @!p0 s5, $0x0  }
0x1f: {  	s9 =	smul.u32 $0xF7A, s1;
	s8 =	simm.s32 @!p0 $0x1BF5;
	p2 =	por !p2, p0  }
0x20: {  	[sflag:s8] =	ssyncset.s32 @!p0 $0xFFFFF086;
	s6 =	sadd.s32 @!p0 s3, s7;
	s7 =	simm.s32 @!p0 $0x108  }
0x21: {  	s3 =	sadd.s32 s3, s9;
	s6 =	sadd.s32 @!p0 $0x88, s6;
	s7 =	simm.s32 @p2 $0x1082  }
0x22: {  	[simem:s7], [sflag:s8] =	dma.local @!p0 [hbm:s6], $0xF7A  }
0x23: {  	s9 =	sor.u32 $0xD0000000, s2;
	s6 =	simm.s32 $0x108;
	_ =	swait.ge @!p0 [sflag:s8], $0x0  }
0x24: {  	s3 =	sadd.s32 $0x88, s3;
	s6 =	simm.s32 @!p1 $0x1082;
	[sflag:s4] =	ssyncset.s32 $0xFFFFF086  }
0x25: {  	[simem:s6], [sflag:s4] =	dma.local [hbm:s3], $0xF7A  }
0x26: {  	[smem:$0x3F9D] =	sst s1;
	(tag) =	ssettag s2;
	_ =	strace s9  }
0x27: {  	s1 =	sld [smem:$0x3FAD]  }
0x28: {  	s2 =	sld [smem:$0x3FAE]  }
0x29: {  	s4 =	sld [smem:$0x3FB0]  }
0x2a: {  	p0 =	seq.s32 s5, $0x0;
	s5 =	sld [smem:$0x3FB1]  }
0x2b: {  	s6 =	sld [smem:$0x3FB2]  }
0x2c: {  	s7 =	sld [smem:$0x3FB3]  }
0x2d: {  	s3 =	simm.s32 $0x108;
	s8 =	sld [smem:$0x3FB4]  }
0x2e: {  	s3 =	simm.s32 @!p0 $0x1082;
	s9 =	sld [smem:$0x3FB5]  }
0x2f: {  	lr =	sadd.s32 s0, s3;
	s0 =	sld [smem:$0x3FAC]  }
0x30: {  	s3 =	sld [smem:$0x3FAF]  }
0x31: {  	[smem:$0x3FB8] =	sst s10  }
0x32: {  	s10 =	sld [smem:$0x3FB6];
	_ =	sdelay $0x3  }
0x33: {  	p0 =	seq.s32 s10, $0x1;
	s10 =	sld [smem:$0x3FB8];
	_ =	sdelay $0x3  }
0x34: {  	[smem:$0x3FB8] =	sst s10  }
0x35: {  	s10 =	sld [smem:$0x3FB7];
	_ =	sdelay $0x3  }
0x36: {  	p1 =	seq.s32 s10, $0x1;
	s10 =	sld [smem:$0x3FB8];
	_ =	sdelay $0x3  }
0x37: {  	[smem:$0x3FB8] =	sst s10  }
0x38: {  	s10 =	sld [smem:$0x3FB9]  }
0x39: {  	_ = 	snop;
	(pc) =	sbr.ind lr, $3  }
0x3a: {  	_ = 	snop  }
0x3b: {  	_ = 	snop  }
0x3c: {  	p2 =	seq.s32 s10, $0x1;
	s10 =	sld [smem:$0x3FB8]  }
0x3d: {  	_ =	shalt  }
0x3e: {  	_ =	shalt  }
0x3f: {  	_ =	shalt  }
0x40: {  	_ =	shalt  }
0x41: {  	_ =	shalt  }
0x42: {  	_ =	shalt  }
0x43: {  	_ =	shalt  }
0x44: {  	_ =	shalt  }
0x45: {  	_ =	shalt  }
0x46: {  	_ =	shalt  }
0x47: {  	_ =	shalt  }
0x48: {  	_ =	shalt  }
0x49: {  	_ =	shalt  }
0x4a: {  	_ =	shalt  }
0x4b: {  	_ =	shalt  }
0x4c: {  	_ =	shalt  }
0x4d: {  	_ =	shalt  }
0x4e: {  	_ =	shalt  }
0x4f: {  	_ =	shalt  }
0x50: {  	_ =	shalt  }
0x51: {  	_ =	shalt  }
0x52: {  	_ =	shalt  }
0x53: {  	_ =	shalt  }
0x54: {  	_ =	shalt  }
0x55: {  	_ =	shalt  }
0x56: {  	_ =	shalt  }
0x57: {  	_ =	shalt  }
0x58: {  	_ =	shalt  }
0x59: {  	_ =	shalt  }
0x5a: {  	_ =	shalt  }
0x5b: {  	_ =	shalt  }
0x5c: {  	_ =	shalt  }
0x5d: {  	_ =	shalt  }
0x5e: {  	_ =	shalt  }
0x5f: {  	_ =	shalt  }
0x60: {  	_ =	shalt  }
0x61: {  	_ =	shalt  }
0x62: {  	_ =	shalt  }
0x63: {  	_ =	shalt  }
0x64: {  	_ =	shalt  }
0x65: {  	_ =	shalt  }
0x66: {  	_ =	shalt  }
0x67: {  	_ =	shalt  }
0x68: {  	_ =	shalt  }
0x69: {  	_ =	shalt  }
0x6a: {  	_ =	shalt  }
0x6b: {  	_ =	shalt  }
0x6c: {  	_ =	shalt  }
0x6d: {  	_ =	shalt  }
0x6e: {  	_ =	shalt  }
0x6f: {  	_ =	shalt  }
0x70: {  	_ =	shalt  }
0x71: {  	_ =	shalt  }
0x72: {  	_ =	shalt  }
0x73: {  	_ =	shalt  }
0x74: {  	_ =	shalt  }
0x75: {  	_ =	shalt  }
0x76: {  	_ =	shalt  }
0x77: {  	_ =	shalt  }
0x78: {  	_ =	shalt  }
0x79: {  	_ =	shalt  }
0x7a: {  	_ =	shalt  }
0x7b: {  	_ =	shalt  }
0x7c: {  	_ =	shalt  }
0x7d: {  	_ =	shalt  }
0x7e: {  	_ =	shalt  }
0x7f: {  	_ =	shalt  }
0x80: {  	_ =	shalt  }
0x81: {  	_ =	shalt  }
0x82: {  	_ =	shalt  }
0x83: {  	_ =	shalt  }
0x84: {  	_ =	shalt  }
0x85: {  	_ =	shalt  }
0x86: {  	_ =	shalt  }
0x87: {  	_ =	shalt  }
.Lfunc_end0:
.L_simem_size_0:
called_computation_lowered:
.L_overlay_start_0:
0x88: {  	s2 =	sld [smem:$0x3FD9]  }
0x89: {  	s3 =	sld [smem:$0x3FFE];
	_ =	sdelay $0x1  }
0x8a: {  	s1 =	srdreg.scid  }
0x8b: {  	s0 =	sand.u32 $0x1, s1  }
0x8c: {  	s17 =	sshll.u32 s0, $0xA;
	s2 =	sadd.s32 s3, s2  }
0x8d: {  	s2 =	sadd.s32 s2, s17  }
0x8e: {  	[smem:$0x3FC4] =	sst s2  }
0x8f: {  	_ = 	snop  }
0x90: {  	s2 =	sld [smem:$0x3FC8]  }
0x91: {  	s18 =	sld [smem:$0x3FD0];
	(tm) =	ssettm $0x1  }
0x92: {  	s4 =	sld [smem:$0x3FFB];
	_ =	sdelay $0x3  }
0x93: {  	_ =	strace s4  }
0x94: {  	s4 =	sld [smem:$0x3FFC];
	_ =	sdelay $0x3  }
0x95: {  	_ =	strace s4  }
0x96: {  	s4 =	sld [smem:$0x3FFD];
	_ =	sdelay $0x3  }
0x97: {  	_ =	strace s4  }
0x98: {  	_ =	strace $0x8FFFFFFF  }
0x99: {  	s19 =	sld [smem:$0x3FDB];
	_ =	sdelay $0x1  }
0x9a: {  	s5 =	simm.s32 $_scs_section_size  }
0x9b: {  	s6 =	simm.s32 $_size__tile_overlayer_lowered;
	s7 =	simm.s32 $_tile_overlayer_lowered  }
0x9c: {  	s22 =	simm.s32 $0x1BFF;
	s21 =	sshll.u32 s7, $0x1;
	s4 =	sadd.s32 s5, s19  }
0x9d: {  	s8 =	simm.s32 $0x0;
	s20 =	sshll.u32 s6, $0x1;
	s6 =	sadd.s32 s21, s4  }
0x9e: {  	[timem:s8], [sflag:s22] =	dma.local [hbm:s6], s20  }
0x9f: {  	_ =	swait.ge [sflag:s22], s20  }
0xa0: {  	s5 =	ssub.s32 $0x0, s20;
	[sflag:s22] =	ssyncset.done $0x0  }
0xa1: {  	[sflag:s22] =	ssyncadd.s32 s5;
	_ =	sdelay $0x1  }
0xa2: {  	s23 =	simm.s32 $0x1B8B  }
0xa3: {  	_ =	swait.ge [sflag:s23], $0x1  }
0xa4: {  	[sflag:s23] =	ssyncset.done $0x0  }
0xa5: {  	s25 =	simm.s32 $0x1B8E;
	s24 =	sld [smem:$0x3FFE];
	[sflag:s23] =	ssyncadd.s32 $0xFFFFFFFF  }
0xa6: {  	s26 =	simm.s32 $execute0_lowered;
	[smem:$0x3FD2] =	sst s25  }
0xa7: {  	s6 =	sshll.u32 s26, $0x1;
	_ =	strace $0x80000046;
	[dreg:$0x1] =	wrdreg $0xFFFFFFFF  }
0xa8: {  	s28 =	simm.s32 $_size_execute0_lowered;
	s4 =	sadd.s32 s4, s6;
	[dreg:$0x0] =	wrdreg $0x0  }
0xa9: {  	s6 =	sshll.u32 s28, $0x1;
	[dreg:$0x2] =	wrdreg s4  }
0xaa: {  	[dreg:$0x3] =	wrdreg s6  }
0xab: {  	[dreg:$0x4] =	wrdreg $0xC0  }
0xac: {  	_ =	task [dreg:s8], $0x5FFFF  }
0xad: {  	[dreg:$0x1] =	wrdreg $0xFFFFFFFF  }
0xae: {  	[dreg:$0x0] =	wrdreg $0x60  }
0xaf: {  	[dreg:$0x2] =	wrdreg s2  }
0xb0: {  	[dreg:$0x3] =	wrdreg s24  }
0xb1: {  	[dreg:$0x4] =	wrdreg s18  }
0xb2: {  	[dreg:$0x5] =	wrdreg $0x9  }
0xb3: {  	_ =	task.clear_ibuf [dreg:s8], $0x6FFFF;
	_ =	strace $0x90000046  }
0xb4: {  	s29 =	simm.s32 $0x9;
	_ =	strace $0x80000048  }
0xb5: {  	_ =	swait.ge [sflag:s29], $0x1  }
0xb6: {  	[sflag:s29] =	ssyncadd.s32 $0xFFFFFFFF  }
0xb7: {  	_ =	strace $0x90000048  }
0xb8: {  	_ =	sfence  }
0xb9: {  	s30 =	sld [smem:$0x0];
	_ =	sdelay $0x2  }
0xba: {  	s31 =	sshll.u32 s1, $0xD;
	s1 =	sshrl.u32 s1, $0x2  }
0xbb: {  	s3 =	sand.u32 $0x4000, s31;
	s1 =	sadd.s32 s1, s30  }
0xbc: {  	s0 =	sor.u32 s3, s0;
	s1 =	sshll.u32 s1, $0x11  }
0xbd: {  	s0 =	sor.u32 s1, s0  }
0xbe: {  	s0 =	sadd.s32 $0x8F2B, s0  }
0xbf: {  	[sflag:s0] =	ssyncadd.remote.s32 $0x1  }
0xc0: {  	_ =	sfence.sel $0xFFFF  }
0xc1: {  	[dreg:$0x0] =	wrdreg $0xFFFFFFFF;
	(pc) =	sbr.abs _section_cstart, $3  }
0xc2: {  	[dreg:$0x1] =	wrdreg $0xFFFFFFFF  }
0xc3: {  	_ =	task.clear_ibuf [dreg:s8], $0x2FFFF;
	_ =	strace $0x9FFFFFFF  }
0xc4: {  	(tm) =	ssettm $0x7FFFFFFF  }
0xc5: {  	_ =	shalt  }
tec
execute0_lowered:
.L_overlay_start_1:
0x0: {  	(tag) =	ssettag $0x1  }
0x1: {  	s3 =	rddreg [dreg:$0x0]  }
0x2: {  	s5 =	rddreg [dreg:$0x1]  }
0x3: {  	s1 =	srdreg.scid;
	s0 =	stileid.u32  }
0x4: {  	s14 =	rddreg [dreg:$0x2];
	s15 =	sand.u32 $0x1, s1;
	s4 =	sshll.u32 s0, $0x1  }
0x5: {  	s2 =	simm.s32 $0x0;
	s1 =	rddreg [dreg:$0x3];
	s16 =	sor.u32 s15, s4  }
0x6: {  	[smem:$0x7FF] =	sst s2;
	s4 =	sshll.u32 s16, $0x6  }
0x7: {  	_ =	strace $0x80000047;
	s4 =	sadd.s32 s3, s4;
	s3 =	simm.s32 $0x2  }
0x8: {  	[tilespmem:s2], [sflag:$0x2] =	stream.linear.gather [hbm4b:s4+s2], $0x200, $0x38;
	[tilespmem:$0x2200] =	vst v63  }
0x9: {  	_ =	swait.ge [sflag:s3], $0x200  }
0xa: {  	s6 =	simm.s32 $0x80;
	[sflag:s3] =	ssyncset.done $0x0  }
0xb: {  	s7 =	simm.s32 $0x200;
	s5 =	sadd.s32 $0xF42C00, s5;
	[sflag:s3] =	ssyncadd.s32 $0xFFFFFE00  }
0xc: {  	[tilespmem:s7], [sflag:$0x1] =	stream.indirect.gather [hbm4b:s5+s6], $0x10, s2, s6, $0xb8;
	[tilespmem:$0x2200] =	vst v63  }
0xd: {  	s8 =	simm.s32 $0xA00  }
0xe: {  	[tilespmem:s8], [sflag:$0x1] =	stream.indirect.gather [hbm4b:s5+s6], $0x10, s6, s6, $0xb8;
	[tilespmem:$0x2200] =	vst v63  }
0xf: {  	s9 =	simm.s32 $0x100;
	s10 =	simm.s32 $0x1200  }
0x10: {  	[tilespmem:s10], [sflag:$0x1] =	stream.indirect.gather [hbm4b:s5+s6], $0x10, s9, s6, $0xb8;
	[tilespmem:$0x2200] =	vst v63  }
0x11: {  	s11 =	simm.s32 $0x180;
	s12 =	simm.s32 $0x1A00;
	s13 =	simm.s32 $0x1  }
0x12: {  	[tilespmem:s12], [sflag:$0x1] =	stream.indirect.gather [hbm4b:s5+s6], $0x10, s11, s6, $0xb8;
	[tilespmem:$0x2200] =	vst v63  }
0x13: {  	_ =	swait.ge [sflag:s13], $0x800  }
0x14: {  	[sflag:s13] =	ssyncset.done $0x0  }
0x15: {  	[sflag:s13] =	ssyncadd.s32 $0xFFFFF800  }
0x16: {  	_ =	swait.ge [sflag:s13], $0x800  }
0x17: {  	[sflag:s13] =	ssyncset.done $0x0  }
0x18: {  	s15 =	ssub.s32 $0x2, s15;
	[sflag:s13] =	ssyncadd.s32 $0xFFFFF800  }
0x19: {  	s17 =	sshrl.u32 s15, $0x1;
	_ =	swait.ge [sflag:s13], $0x800  }
0x1a: {  	s15 =	ssub.s32 s15, s17;
	[sflag:s13] =	ssyncset.done $0x0  }
0x1b: {  	s15 =	smax.u32 s15, $0x1;
	[sflag:s13] =	ssyncadd.s32 $0xFFFFF800  }
0x1c: {  	p0 =	sne.s32 s15, $0x1;
	_ =	swait.ge [sflag:s13], $0x800  }
.Ltmp0:
0x1d: {  	s16 =	sshll.u32 s16, $0xA;
	[sflag:s13] =	ssyncset.done $0x0;
	(pc) =	sbr.rel @!p0 .LBB2_2-.Ltmp0, $4  }
0x1e: {  	s14 =	sadd.s32 s14, s16;
	[sflag:s13] =	ssyncadd.s32 $0xFFFFF800  }
0x1f: {  	[hbm4b:s14+s2] =	stream.linear.scatter [tilespmem:s7], [sflag:$0x2], $0x2000, $0x38;
	[tilespmem:$0x2200] =	vst v63  }
0x20: {  	_ =	swait.ge [sflag:s3], $0x2000  }
0x21: {  	s15 =	sadd.s32 $0xFFFFFFFF, s15;
	[sflag:s3] =	ssyncset.done $0x0  }
.LBB2_1:
0x22: {  	p0 =	sne.s32 s15, $0x1;
	s15 =	sadd.s32 $0xFFFFFFFF, s15;
	[sflag:s3] =	ssyncadd.s32 $0xFFFFE000  }
0x23: {  	[tilespmem:s2], [sflag:$0x2] =	stream.linear.gather [hbm4b:s4+s2], $0x200, $0x38;
	[tilespmem:$0x2200] =	vst v63  }
0x24: {  	_ =	swait.ge [sflag:s3], $0x200  }
0x25: {  	[sflag:s3] =	ssyncset.done $0x0  }
0x26: {  	[sflag:s3] =	ssyncadd.s32 $0xFFFFFE00  }
0x27: {  	[tilespmem:s7], [sflag:$0x1] =	stream.indirect.gather [hbm4b:s5+s6], $0x10, s2, s6, $0xb8;
	[tilespmem:$0x2200] =	vst v63  }
0x28: {  	_ = 	snop  }
0x29: {  	[tilespmem:s8], [sflag:$0x1] =	stream.indirect.gather [hbm4b:s5+s6], $0x10, s6, s6, $0xb8;
	[tilespmem:$0x2200] =	vst v63  }
0x2a: {  	_ = 	snop  }
0x2b: {  	[tilespmem:s10], [sflag:$0x1] =	stream.indirect.gather [hbm4b:s5+s6], $0x10, s9, s6, $0xb8;
	[tilespmem:$0x2200] =	vst v63  }
0x2c: {  	_ = 	snop  }
0x2d: {  	[tilespmem:s12], [sflag:$0x1] =	stream.indirect.gather [hbm4b:s5+s6], $0x10, s11, s6, $0xb8;
	[tilespmem:$0x2200] =	vst v63  }
0x2e: {  	_ =	swait.ge [sflag:s13], $0x800  }
0x2f: {  	[sflag:s13] =	ssyncset.done $0x0  }
0x30: {  	[sflag:s13] =	ssyncadd.s32 $0xFFFFF800  }
0x31: {  	_ =	swait.ge [sflag:s13], $0x800  }
0x32: {  	[sflag:s13] =	ssyncset.done $0x0  }
0x33: {  	[sflag:s13] =	ssyncadd.s32 $0xFFFFF800  }
0x34: {  	_ =	swait.ge [sflag:s13], $0x800  }
0x35: {  	[sflag:s13] =	ssyncset.done $0x0  }
0x36: {  	[sflag:s13] =	ssyncadd.s32 $0xFFFFF800  }
0x37: {  	_ =	swait.ge [sflag:s13], $0x800  }
.Ltmp1:
0x38: {  	[sflag:s13] =	ssyncset.done $0x0;
	(pc) =	sbr.rel @p0 .LBB2_1-.Ltmp1, $4  }
0x39: {  	[sflag:s13] =	ssyncadd.s32 $0xFFFFF800  }
0x3a: {  	[hbm4b:s14+s2] =	stream.linear.scatter [tilespmem:s7], [sflag:$0x2], $0x2000, $0x38;
	[tilespmem:$0x2200] =	vst v63  }
0x3b: {  	_ =	swait.ge [sflag:s3], $0x2000  }
0x3c: {  	[sflag:s3] =	ssyncset.done $0x0  }
.LBB2_2:
0x3d: {  	[sflag:s3] =	ssyncadd.s32 $0xFFFFE000  }
0x3e: {  	_ =	sfence.sel $0x180000  }
0x3f: {  	[bflag:$0x0] =	sbarrier.arrive $0xFFFF  }
0x40: {  	p0 =	sne.s32 s0, $0x0;
	_ =	strace $0x90000047  }
0x41: {  	s0 =	sadd.s32 @!p0 $0x100000, s1;
	[bflag:$0x2] =	sbarrier.arrive $0xFFFF  }
0x42: {  	[sflag:s0] =	ssyncadd.tile.s32 @!p0 $0x1;
	_ =	shalt  }
.Lfunc_end2:
_tile_overlayer_lowered:
.L_overlay_start_2:
0x43: {  	(tag) =	ssettag $0x2  }
0x44: {  	s0 =	rddreg [dreg:$0x0];
	s2 =	stileid.u32  }
0x45: {  	s1 =	rddreg [dreg:$0x1];
	p0 =	sne.s32 s2, $0x0  }
0x46: {  	s3 =	rddreg [dreg:$0x2];
	[bflag:$0x3] =	sbarrier.arrive $0xFFFF;
	s2 =	simm.s32 @!p0 $0x1C02  }
0x47: {  	[timem:s3], [sflag:s2] =	dma.local @!p0 [hbm:s0], s1  }
0x48: {  	s0 =	simm.s32 @!p0 $0x2  }
0x49: {  	_ =	swait.ge @!p0 [sflag:s0], s1  }
0x4a: {  	s1 =	ssub.s32 @!p0 $0x0, s1;
	[sflag:s0] =	ssyncset.done @!p0 $0x0  }
0x4b: {  	[sflag:s0] =	ssyncadd.s32 @!p0 s1  }
0x4c: {  	[bflag:$0x3] =	sbarrier.arrive $0xFFFF  }
0x4d: {  	_ =	shalt  }

// kernel: kernel.7.cloned.1.call-start
scs
__scs_entry_jumppad:
0x0: {  	(pc) =	sbr.rel $0x88, $3  }
0x1: {  	(tag) =	ssettag $0x0;
	lr =	simm.s32 $0x1  }
0x2: {  	[smem:$0x3F9D] =	sst lr;
	_ =	strace $0xD0000000  }
0x3: {  	_ = 	snop  }
0x4: {  	_ = 	snop  }
0x5: {  	_ = 	snop  }
0x6: {  	_ = 	snop  }
0x7: {  	_ = 	snop  }
__scs_overlays_trampoline_lowered:
0x8: {  	[smem:$0x3FAC] =	sst s0  }
0x9: {  	[smem:$0x3FAD] =	sst s1  }
0xa: {  	[smem:$0x3FAE] =	sst s2  }
0xb: {  	[smem:$0x3FAF] =	sst s3  }
0xc: {  	[smem:$0x3FB0] =	sst s4  }
0xd: {  	[smem:$0x3FB1] =	sst s5  }
0xe: {  	[smem:$0x3FB2] =	sst s6  }
0xf: {  	[smem:$0x3FB3] =	sst s7  }
0x10: {  	[smem:$0x3FB4] =	sst s8  }
0x11: {  	[smem:$0x3FB5] =	sst s9;
	s0 =	simm.s32 @!p0 $0x0  }
0x12: {  	s1 =	sld [smem:$0x3F9B];
	s0 =	simm.s32 @p0 $0x1  }
0x13: {  	[smem:$0x3FB6] =	sst s0;
	s0 =	simm.s32 @!p1 $0x0  }
0x14: {  	s2 =	sld [smem:$0x3F9A];
	s0 =	simm.s32 @p1 $0x1  }
0x15: {  	[smem:$0x3FB7] =	sst s0;
	s0 =	simm.s32 @!p2 $0x0  }
0x16: {  	s3 =	sld [smem:$0x3FDB];
	s0 =	simm.s32 @p2 $0x1  }
0x17: {  	s4 =	simm.s32 $0x1BF5;
	[smem:$0x3FB9] =	sst s0  }
0x18: {  	s0 =	sld [smem:$0x3F9C];
	_ =	swait.ge [sflag:s4], $0x0  }
0x19: {  	s7 =	sld [smem:$0x3F9D]  }
0x1a: {  	s8 =	sadd.s32 $0xFFFFE003, lr  }
0x1b: {  	s9 =	sadd.s32 $0xFFFFFEF7, lr;
	s5 =	simm.s32 $0xFFFFFFFF;
	p2 =	slt.u32 s8, $0xFFFFF086  }
0x1c: {  	p1 =	slt.u32 s9, $0xF7A;
	s5 =	simm.s32 @!p2 $0x0  }
0x1d: {  	s5 =	simm.s32 @p1 $0x1;
	p0 =	seq.s32 s7, s2  }
0x1e: {  	s7 =	smul.u32 @!p0 $0xF7A, s2;
	p2 =	seq.s32 @!p0 s5, $0x0  }
0x1f: {  	s9 =	smul.u32 $0xF7A, s1;
	s8 =	simm.s32 @!p0 $0x1BF5;
	p2 =	por !p2, p0  }
0x20: {  	[sflag:s8] =	ssyncset.s32 @!p0 $0xFFFFF086;
	s6 =	sadd.s32 @!p0 s3, s7;
	s7 =	simm.s32 @!p0 $0x108  }
0x21: {  	s3 =	sadd.s32 s3, s9;
	s6 =	sadd.s32 @!p0 $0x88, s6;
	s7 =	simm.s32 @p2 $0x1082  }
0x22: {  	[simem:s7], [sflag:s8] =	dma.local @!p0 [hbm:s6], $0xF7A  }
0x23: {  	s9 =	sor.u32 $0xD0000000, s2;
	s6 =	simm.s32 $0x108;
	_ =	swait.ge @!p0 [sflag:s8], $0x0  }
0x24: {  	s3 =	sadd.s32 $0x88, s3;
	s6 =	simm.s32 @!p1 $0x1082;
	[sflag:s4] =	ssyncset.s32 $0xFFFFF086  }
0x25: {  	[simem:s6], [sflag:s4] =	dma.local [hbm:s3], $0xF7A  }
0x26: {  	[smem:$0x3F9D] =	sst s1;
	(tag) =	ssettag s2;
	_ =	strace s9  }
0x27: {  	s1 =	sld [smem:$0x3FAD]  }
0x28: {  	s2 =	sld [smem:$0x3FAE]  }
0x29: {  	s4 =	sld [smem:$0x3FB0]  }
0x2a: {  	p0 =	seq.s32 s5, $0x0;
	s5 =	sld [smem:$0x3FB1]  }
0x2b: {  	s6 =	sld [smem:$0x3FB2]  }
0x2c: {  	s7 =	sld [smem:$0x3FB3]  }
0x2d: {  	s3 =	simm.s32 $0x108;
	s8 =	sld [smem:$0x3FB4]  }
0x2e: {  	s3 =	simm.s32 @!p0 $0x1082;
	s9 =	sld [smem:$0x3FB5]  }
0x2f: {  	lr =	sadd.s32 s0, s3;
	s0 =	sld [smem:$0x3FAC]  }
0x30: {  	s3 =	sld [smem:$0x3FAF]  }
0x31: {  	[smem:$0x3FB8] =	sst s10  }
0x32: {  	s10 =	sld [smem:$0x3FB6];
	_ =	sdelay $0x3  }
0x33: {  	p0 =	seq.s32 s10, $0x1;
	s10 =	sld [smem:$0x3FB8];
	_ =	sdelay $0x3  }
0x34: {  	[smem:$0x3FB8] =	sst s10  }
0x35: {  	s10 =	sld [smem:$0x3FB7];
	_ =	sdelay $0x3  }
0x36: {  	p1 =	seq.s32 s10, $0x1;
	s10 =	sld [smem:$0x3FB8];
	_ =	sdelay $0x3  }
0x37: {  	[smem:$0x3FB8] =	sst s10  }
0x38: {  	s10 =	sld [smem:$0x3FB9]  }
0x39: {  	_ = 	snop;
	(pc) =	sbr.ind lr, $3  }
0x3a: {  	_ = 	snop  }
0x3b: {  	_ = 	snop  }
0x3c: {  	p2 =	seq.s32 s10, $0x1;
	s10 =	sld [smem:$0x3FB8]  }
0x3d: {  	_ =	shalt  }
0x3e: {  	_ =	shalt  }
0x3f: {  	_ =	shalt  }
0x40: {  	_ =	shalt  }
0x41: {  	_ =	shalt  }
0x42: {  	_ =	shalt  }
0x43: {  	_ =	shalt  }
0x44: {  	_ =	shalt  }
0x45: {  	_ =	shalt  }
0x46: {  	_ =	shalt  }
0x47: {  	_ =	shalt  }
0x48: {  	_ =	shalt  }
0x49: {  	_ =	shalt  }
0x4a: {  	_ =	shalt  }
0x4b: {  	_ =	shalt  }
0x4c: {  	_ =	shalt  }
0x4d: {  	_ =	shalt  }
0x4e: {  	_ =	shalt  }
0x4f: {  	_ =	shalt  }
0x50: {  	_ =	shalt  }
0x51: {  	_ =	shalt  }
0x52: {  	_ =	shalt  }
0x53: {  	_ =	shalt  }
0x54: {  	_ =	shalt  }
0x55: {  	_ =	shalt  }
0x56: {  	_ =	shalt  }
0x57: {  	_ =	shalt  }
0x58: {  	_ =	shalt  }
0x59: {  	_ =	shalt  }
0x5a: {  	_ =	shalt  }
0x5b: {  	_ =	shalt  }
0x5c: {  	_ =	shalt  }
0x5d: {  	_ =	shalt  }
0x5e: {  	_ =	shalt  }
0x5f: {  	_ =	shalt  }
0x60: {  	_ =	shalt  }
0x61: {  	_ =	shalt  }
0x62: {  	_ =	shalt  }
0x63: {  	_ =	shalt  }
0x64: {  	_ =	shalt  }
0x65: {  	_ =	shalt  }
0x66: {  	_ =	shalt  }
0x67: {  	_ =	shalt  }
0x68: {  	_ =	shalt  }
0x69: {  	_ =	shalt  }
0x6a: {  	_ =	shalt  }
0x6b: {  	_ =	shalt  }
0x6c: {  	_ =	shalt  }
0x6d: {  	_ =	shalt  }
0x6e: {  	_ =	shalt  }
0x6f: {  	_ =	shalt  }
0x70: {  	_ =	shalt  }
0x71: {  	_ =	shalt  }
0x72: {  	_ =	shalt  }
0x73: {  	_ =	shalt  }
0x74: {  	_ =	shalt  }
0x75: {  	_ =	shalt  }
0x76: {  	_ =	shalt  }
0x77: {  	_ =	shalt  }
0x78: {  	_ =	shalt  }
0x79: {  	_ =	shalt  }
0x7a: {  	_ =	shalt  }
0x7b: {  	_ =	shalt  }
0x7c: {  	_ =	shalt  }
0x7d: {  	_ =	shalt  }
0x7e: {  	_ =	shalt  }
0x7f: {  	_ =	shalt  }
0x80: {  	_ =	shalt  }
0x81: {  	_ =	shalt  }
0x82: {  	_ =	shalt  }
0x83: {  	_ =	shalt  }
0x84: {  	_ =	shalt  }
0x85: {  	_ =	shalt  }
0x86: {  	_ =	shalt  }
0x87: {  	_ =	shalt  }
.Lfunc_end0:
.L_simem_size_0:
called_computation.1_lowered:
.L_overlay_start_0:
0x88: {  	s2 =	sld [smem:$0x3FD9]  }
0x89: {  	s3 =	sld [smem:$0x3FFE];
	_ =	sdelay $0x1  }
0x8a: {  	s1 =	srdreg.scid  }
0x8b: {  	s0 =	sand.u32 $0x1, s1  }
0x8c: {  	s17 =	sshll.u32 s0, $0xA;
	s2 =	sadd.s32 s3, s2  }
0x8d: {  	s2 =	sadd.s32 s2, s17  }
0x8e: {  	[smem:$0x3FC4] =	sst s2  }
0x8f: {  	_ = 	snop  }
0x90: {  	s2 =	sld [smem:$0x3FC9]  }
0x91: {  	s18 =	sld [smem:$0x3FC6]  }
0x92: {  	s4 =	sld [smem:$0x3FD0];
	(tm) =	ssettm $0x1  }
0x93: {  	s5 =	sld [smem:$0x3FFB];
	_ =	sdelay $0x3  }
0x94: {  	_ =	strace s5  }
0x95: {  	s5 =	sld [smem:$0x3FFC];
	_ =	sdelay $0x3  }
0x96: {  	_ =	strace s5  }
0x97: {  	s5 =	sld [smem:$0x3FFD];
	_ =	sdelay $0x3  }
0x98: {  	_ =	strace s5  }
0x99: {  	_ =	strace $0x8FFFFFFF  }
0x9a: {  	s19 =	sld [smem:$0x3FDB];
	_ =	sdelay $0x1  }
0x9b: {  	s6 =	simm.s32 $_scs_section_size  }
0x9c: {  	s7 =	simm.s32 $_size__tile_overlayer_lowered;
	s8 =	simm.s32 $_tile_overlayer_lowered  }
0x9d: {  	s22 =	simm.s32 $0x1BFF;
	s21 =	sshll.u32 s8, $0x1;
	s5 =	sadd.s32 s6, s19  }
0x9e: {  	s9 =	simm.s32 $0x0;
	s20 =	sshll.u32 s7, $0x1;
	s7 =	sadd.s32 s21, s5  }
0x9f: {  	[timem:s9], [sflag:s22] =	dma.local [hbm:s7], s20  }
0xa0: {  	_ =	swait.ge [sflag:s22], s20  }
0xa1: {  	s6 =	ssub.s32 $0x0, s20;
	[sflag:s22] =	ssyncset.done $0x0  }
0xa2: {  	[sflag:s22] =	ssyncadd.s32 s6;
	_ =	sdelay $0x1  }
0xa3: {  	s23 =	simm.s32 $0x1B8B  }
0xa4: {  	_ =	swait.ge [sflag:s23], $0x1  }
0xa5: {  	[sflag:s23] =	ssyncset.done $0x0  }
0xa6: {  	s25 =	simm.s32 $0x1B8E;
	s24 =	sld [smem:$0x3FFE];
	[sflag:s23] =	ssyncadd.s32 $0xFFFFFFFF  }
0xa7: {  	s26 =	simm.s32 $execute0_lowered;
	[smem:$0x3FD2] =	sst s25  }
0xa8: {  	s7 =	sshll.u32 s26, $0x1;
	_ =	strace $0x80000049;
	[dreg:$0x1] =	wrdreg $0xFFFFFFFF  }
0xa9: {  	s28 =	simm.s32 $_size_execute0_lowered;
	s5 =	sadd.s32 s5, s7;
	[dreg:$0x0] =	wrdreg $0x0  }
0xaa: {  	s7 =	sshll.u32 s28, $0x1;
	[dreg:$0x2] =	wrdreg s5  }
0xab: {  	[dreg:$0x3] =	wrdreg s7  }
0xac: {  	[dreg:$0x4] =	wrdreg $0xC0  }
0xad: {  	_ =	task [dreg:s9], $0x5FFFF  }
0xae: {  	[dreg:$0x1] =	wrdreg $0xFFFFFFFF  }
0xaf: {  	[dreg:$0x0] =	wrdreg $0x60  }
0xb0: {  	[dreg:$0x2] =	wrdreg s2  }
0xb1: {  	[dreg:$0x3] =	wrdreg s24  }
0xb2: {  	[dreg:$0x4] =	wrdreg s18  }
0xb3: {  	[dreg:$0x5] =	wrdreg s4  }
0xb4: {  	[dreg:$0x6] =	wrdreg $0x9  }
0xb5: {  	_ =	task.clear_ibuf [dreg:s9], $0x7FFFF;
	_ =	strace $0x90000049  }
0xb6: {  	s29 =	simm.s32 $0x9;
	_ =	strace $0x8000004B  }
0xb7: {  	_ =	swait.ge [sflag:s29], $0x1  }
0xb8: {  	[sflag:s29] =	ssyncadd.s32 $0xFFFFFFFF  }
0xb9: {  	_ =	strace $0x9000004B  }
0xba: {  	_ =	sfence  }
0xbb: {  	s30 =	sld [smem:$0x0];
	_ =	sdelay $0x2  }
0xbc: {  	s31 =	sshll.u32 s1, $0xD;
	s1 =	sshrl.u32 s1, $0x2  }
0xbd: {  	s3 =	sand.u32 $0x4000, s31;
	s1 =	sadd.s32 s1, s30  }
0xbe: {  	s0 =	sor.u32 s3, s0;
	s1 =	sshll.u32 s1, $0x11  }
0xbf: {  	s0 =	sor.u32 s1, s0  }
0xc0: {  	s0 =	sadd.s32 $0x8F2B, s0  }
0xc1: {  	[sflag:s0] =	ssyncadd.remote.s32 $0x1  }
0xc2: {  	_ =	sfence.sel $0xFFFF  }
0xc3: {  	[dreg:$0x0] =	wrdreg $0xFFFFFFFF;
	(pc) =	sbr.abs _section_cstart, $3  }
0xc4: {  	[dreg:$0x1] =	wrdreg $0xFFFFFFFF  }
0xc5: {  	_ =	task.clear_ibuf [dreg:s9], $0x2FFFF;
	_ =	strace $0x9FFFFFFF  }
0xc6: {  	(tm) =	ssettm $0x7FFFFFFF  }
0xc7: {  	_ =	shalt  }
tec
execute0_lowered:
.L_overlay_start_1:
0x0: {  	(tag) =	ssettag $0x1  }
0x1: {  	s4 =	rddreg [dreg:$0x0]  }
0x2: {  	s3 =	rddreg [dreg:$0x1]  }
0x3: {  	s5 =	rddreg [dreg:$0x2]  }
0x4: {  	s6 =	rddreg [dreg:$0x3];
	s2 =	srdreg.scid  }
0x5: {  	s0 =	rddreg [dreg:$0x4];
	s1 =	stileid.u32;
	s10 =	simm.s32 $0x1  }
0x6: {  	s11 =	simm.s32 $0x2000;
	s12 =	simm.s32 $0x4000;
	s13 =	simm.s32 $0x0  }
0x7: {  	s7 =	sand.u32 $0x1, s2;
	s2 =	simm.s32 $0x0;
	s8 =	sshll.u32 s1, $0xA  }
0x8: {  	s9 =	sshll.u32 s7, $0x9;
	[smem:$0x7FF] =	sst s2;
	s7 =	ssub.s32 $0x2, s7  }
0x9: {  	s8 =	sor.u32 s9, s8;
	_ =	strace $0x8000004A;
	s31 =	sshrl.u32 s7, $0x1  }
0xa: {  	s9 =	simm.s32 $0x20000;
	s3 =	sadd.s32 s8, s3;
	s7 =	ssub.s32 s7, s31  }
0xb: {  	s4 =	sadd.s32 s4, s8;
	s5 =	sadd.s32 s5, s8;
	s6 =	sadd.s32 s6, s8  }
0xc: {  	s8 =	simm.s32 $0x1000;
	s3 =	sadd.s32 $0x800, s3;
	s7 =	smax.u32 s7, $0x1  }
.LBB2_1:
0xd: {  	[tilespmem:s2], [sflag:$0x1] =	stream.strided.gather [hbm4b:s3+s8], $0x2000, s9, s8, $0x38;
	[tilespmem:$0x6000] =	vst v63  }
0xe: {  	_ =	swait.ge [sflag:s10], $0x2000  }
0xf: {  	[sflag:s10] =	ssyncset.done $0x0  }
0x10: {  	[sflag:s10] =	ssyncadd.s32 $0xFFFFE000  }
0x11: {  	[tilespmem:s11], [sflag:$0x1] =	stream.strided.gather [hbm4b:s4+s8], $0x2000, s9, s8, $0x38;
	[tilespmem:$0x6000] =	vst v63  }
0x12: {  	_ =	swait.ge [sflag:s10], $0x2000  }
0x13: {  	[sflag:s10] =	ssyncset.done $0x0  }
0x14: {  	[sflag:s10] =	ssyncadd.s32 $0xFFFFE000  }
0x15: {  	[tilespmem:s12], [sflag:$0x1] =	stream.strided.gather [hbm4b:s5+s8], $0x2000, s9, s8, $0x38;
	[tilespmem:$0x6000] =	vst v63  }
0x16: {  	_ =	swait.ge [sflag:s10], $0x2000  }
0x17: {  	s14 =	sand.u32 $0x70, s2;
	s15 =	sand.u32 $0xC00, s2;
	[sflag:s10] =	ssyncset.done $0x0  }
0x18: {  	s14 =	sor.u32 s14, s15;
	[sflag:s10] =	ssyncadd.s32 $0xFFFFE000  }
0x19: {  	v14 =	vld [tilespmem:s14+$0x2000]  }
0x1a: {  	v15 =	vld [tilespmem:s14+$0x2080]  }
0x1b: {  	v17 =	vld [tilespmem:s14+$0x2100]  }
0x1c: {  	v18 =	vld [tilespmem:s14+$0x2180]  }
0x1d: {  	v19 =	vld [tilespmem:s14+$0x2200]  }
0x1e: {  	v7 =	vld [tilespmem:s14+$0x2280]  }
0x1f: {  	v5 =	vld [tilespmem:s14+$0x2300]  }
0x20: {  	v4 =	vld [tilespmem:s14+$0x2380]  }
0x21: {  	v3 =	vld [tilespmem:s14+$0x3000]  }
0x22: {  	v2 =	vld [tilespmem:s14+$0x3080]  }
0x23: {  	v1 =	vld [tilespmem:s14+$0x3100]  }
0x24: {  	v0 =	vld [tilespmem:s14+$0x3180]  }
0x25: {  	v16 =	vld [tilespmem:s14+$0x0]  }
0x26: {  	v20 =	vld [tilespmem:s14+$0x80]  }
0x27: {  	v21 =	vld [tilespmem:s14+$0x100]  }
0x28: {  	v22 =	vld [tilespmem:s14+$0x180]  }
0x29: {  	v23 =	vld [tilespmem:s14+$0x200]  }
0x2a: {  	v24 =	vld [tilespmem:s14+$0x280]  }
0x2b: {  	v25 =	vld [tilespmem:s14+$0x300]  }
0x2c: {  	v26 =	vld [tilespmem:s14+$0x380]  }
0x2d: {  	v27 =	vld [tilespmem:s14+$0x1000]  }
0x2e: {  	v13 =	vld [tilespmem:s14+$0x1080]  }
0x2f: {  	v12 =	vld [tilespmem:s14+$0x1100]  }
0x30: {  	v11 =	vld [tilespmem:s14+$0x1180]  }
0x31: {  	v10 =	vld [tilespmem:s14+$0x1200]  }
0x32: {  	v9 =	vld [tilespmem:s14+$0x1280]  }
0x33: {  	v8 =	vld [tilespmem:s14+$0x1300]  }
0x34: {  	v6 =	vld [tilespmem:s14+$0x1380]  }
0x35: {  	v28 =	vld [tilespmem:s14+$0x4000]  }
0x36: {  	v29 =	vld [tilespmem:s14+$0x4080]  }
0x37: {  	v30 =	vld [tilespmem:s14+$0x4100]  }
0x38: {  	v31 =	vld [tilespmem:s14+$0x4180]  }
0x39: {  	v32 =	vld [tilespmem:s14+$0x4200]  }
0x3a: {  	v60 =	vld [tilespmem:s14+$0x4280];
	v16 =	vmul.f32 v16, v28  }
0x3b: {  	v61 =	vld [tilespmem:s14+$0x4300];
	v20 =	vmul.f32 v20, v29  }
0x3c: {  	v62 =	vld [tilespmem:s14+$0x4380];
	v21 =	vmul.f32 v21, v30;
	v16 =	vmul.f32 $1.000000010e-01, v16  }
0x3d: {  	v63 =	vld [tilespmem:s14+$0x5000];
	v22 =	vmul.f32 v22, v31;
	v20 =	vmul.f32 $1.000000010e-01, v20  }
0x3e: {  	v23 =	vmul.f32 v23, v32;
	v21 =	vmul.f32 $1.000000010e-01, v21;
	v33 =	vadd.f32 v16, v14;
	v16 =	vld [tilespmem:s14+$0x5080]  }
0x3f: {  	v15 =	vadd.f32 v20, v15;
	v20 =	vmul.f32 $1.000000010e-01, v22;
	v22 =	vmul.f32 v24, v60;
	v14 =	vld [tilespmem:s14+$0x5100]  }
0x40: {  	v25 =	vmul.f32 v25, v61;
	v23 =	vmul.f32 $1.000000010e-01, v23;
	v24 =	vadd.f32 v21, v17;
	v17 =	vld [tilespmem:s14+$0x5180];
	[tilespmem:s14+$0x4000] =	vst v33  }
0x41: {  	[tilespmem:s14+$0x4080] =	vst v15;
	v21 =	vadd.f32 v20, v18;
	v22 =	vmul.f32 $1.000000010e-01, v22;
	v20 =	vmul.f32 v26, v62;
	v18 =	vld [tilespmem:s14+$0x5200]  }
0x42: {  	s16 =	simm.s32 $0x0;
	s15 =	simm.s32 $0x10;
	[tilespmem:s14+$0x4100] =	vst v24;
	v24 =	vadd.f32 v23, v19;
	v23 =	vmul.f32 $1.000000010e-01, v25;
	v19 =	vmul.f32 v27, v63;
	v15 =	vld [tilespmem:s14+$0x5280]  }
.LBB2_2:
0x43: {  	p0 =	sne.s32 s15, $0x1F0;
	[tilespmem:s14+$0x4180] =	vst v21;
	v7 =	vadd.f32 v22, v7;
	v20 =	vmul.f32 $1.000000010e-01, v20;
	v13 =	vmul.f32 v13, v16;
	v16 =	vld [tilespmem:s14+$0x5300]  }
0x44: {  	[tilespmem:s14+$0x4200] =	vst v24;
	v5 =	vadd.f32 v23, v5;
	v19 =	vmul.f32 $1.000000010e-01, v19;
	v12 =	vmul.f32 v12, v14;
	v14 =	vld [tilespmem:s14+$0x5380]  }
0x45: {  	[tilespmem:s14+$0x4280] =	vst v7;
	v4 =	vadd.f32 v20, v4;
	v7 =	vmul.f32 $1.000000010e-01, v13;
	v11 =	vmul.f32 v11, v17;
	v13 =	vld [tilespmem:s14+$0x3200]  }
0x46: {  	s16 =	sadd.s32 $0x80, s16;
	[tilespmem:s14+$0x4300] =	vst v5;
	v3 =	vadd.f32 v19, v3;
	v5 =	vmul.f32 $1.000000010e-01, v12;
	v10 =	vmul.f32 v10, v18;
	v12 =	vld [tilespmem:s14+$0x3280]  }
0x47: {  	s17 =	sand.u32 $0x70, s15;
	s18 =	sand.u32 $0xC00, s16;
	[tilespmem:s14+$0x4380] =	vst v4;
	v2 =	vadd.f32 v7, v2;
	v4 =	vmul.f32 $1.000000010e-01, v11;
	v7 =	vmul.f32 v9, v15;
	v9 =	vld [tilespmem:s14+$0x3300]  }
0x48: {  	s17 =	sor.u32 s17, s18;
	[tilespmem:s14+$0x5000] =	vst v3;
	v1 =	vadd.f32 v5, v1;
	v3 =	vmul.f32 $1.000000010e-01, v10;
	v5 =	vmul.f32 v8, v16;
	v8 =	vld [tilespmem:s14+$0x3380]  }
0x49: {  	v15 =	vld [tilespmem:s17+$0x2000];
	[tilespmem:s14+$0x5080] =	vst v2;
	v0 =	vadd.f32 v4, v0;
	v2 =	vmul.f32 $1.000000010e-01, v7;
	v4 =	vmul.f32 v6, v14  }
0x4a: {  	v14 =	vld [tilespmem:s17+$0x2080];
	[tilespmem:s14+$0x5100] =	vst v1;
	v1 =	vadd.f32 v3, v13;
	v3 =	vmul.f32 $1.000000010e-01, v5  }
0x4b: {  	v17 =	vld [tilespmem:s17+$0x2100];
	[tilespmem:s14+$0x5180] =	vst v0;
	v0 =	vadd.f32 v2, v12;
	v2 =	vmul.f32 $1.000000010e-01, v4  }
0x4c: {  	v18 =	vld [tilespmem:s17+$0x2180];
	[tilespmem:s14+$0x5200] =	vst v1;
	v1 =	vadd.f32 v3, v9  }
0x4d: {  	v19 =	vld [tilespmem:s17+$0x2200];
	[tilespmem:s14+$0x5280] =	vst v0;
	v0 =	vadd.f32 v2, v8  }
0x4e: {  	v7 =	vld [tilespmem:s17+$0x2280];
	[tilespmem:s14+$0x5300] =	vst v1  }
0x4f: {  	v5 =	vld [tilespmem:s17+$0x2300];
	[tilespmem:s14+$0x5380] =	vst v0;
	s14 =	smov.u32 s17  }
0x50: {  	v4 =	vld [tilespmem:s14+$0x2380]  }
0x51: {  	v3 =	vld [tilespmem:s14+$0x3000]  }
0x52: {  	v2 =	vld [tilespmem:s14+$0x3080]  }
0x53: {  	v1 =	vld [tilespmem:s14+$0x3100]  }
0x54: {  	v0 =	vld [tilespmem:s14+$0x3180]  }
0x55: {  	v16 =	vld [tilespmem:s14+$0x0]  }
0x56: {  	v20 =	vld [tilespmem:s14+$0x80]  }
0x57: {  	v21 =	vld [tilespmem:s14+$0x100]  }
0x58: {  	v22 =	vld [tilespmem:s14+$0x180]  }
0x59: {  	v23 =	vld [tilespmem:s14+$0x200]  }
0x5a: {  	v24 =	vld [tilespmem:s14+$0x280]  }
0x5b: {  	v25 =	vld [tilespmem:s14+$0x300]  }
0x5c: {  	v26 =	vld [tilespmem:s14+$0x380]  }
0x5d: {  	v27 =	vld [tilespmem:s14+$0x1000]  }
0x5e: {  	v13 =	vld [tilespmem:s14+$0x1080]  }
0x5f: {  	v12 =	vld [tilespmem:s14+$0x1100]  }
0x60: {  	v11 =	vld [tilespmem:s14+$0x1180]  }
0x61: {  	v10 =	vld [tilespmem:s14+$0x1200]  }
0x62: {  	v9 =	vld [tilespmem:s14+$0x1280]  }
0x63: {  	v8 =	vld [tilespmem:s14+$0x1300]  }
0x64: {  	v6 =	vld [tilespmem:s14+$0x1380]  }
0x65: {  	v28 =	vld [tilespmem:s14+$0x4000]  }
0x66: {  	v29 =	vld [tilespmem:s14+$0x4080]  }
0x67: {  	v30 =	vld [tilespmem:s14+$0x4100]  }
0x68: {  	v31 =	vld [tilespmem:s14+$0x4180]  }
0x69: {  	v32 =	vld [tilespmem:s14+$0x4200]  }
0x6a: {  	v16 =	vmul.f32 v16, v28;
	v28 =	vld [tilespmem:s14+$0x4280]  }
0x6b: {  	v20 =	vmul.f32 v20, v29;
	v29 =	vld [tilespmem:s14+$0x4300]  }
0x6c: {  	v16 =	vmul.f32 $1.000000010e-01, v16;
	v21 =	vmul.f32 v21, v30;
	v30 =	vld [tilespmem:s14+$0x4380]  }
0x6d: {  	v20 =	vmul.f32 $1.000000010e-01, v20;
	v22 =	vmul.f32 v22, v31;
	v31 =	vld [tilespmem:s14+$0x5000]  }
.Ltmp0:
0x6e: {  	v15 =	vadd.f32 v16, v15;
	v21 =	vmul.f32 $1.000000010e-01, v21;
	v23 =	vmul.f32 v23, v32;
	v16 =	vld [tilespmem:s14+$0x5080];
	(pc) =	sbr.rel @p0 .LBB2_2-.Ltmp0, $4  }
0x6f: {  	v20 =	vadd.f32 v20, v14;
	v22 =	vmul.f32 $1.000000010e-01, v22;
	v24 =	vmul.f32 v24, v28;
	v14 =	vld [tilespmem:s14+$0x5100]  }
0x70: {  	[tilespmem:s14+$0x4000] =	vst v15;
	v15 =	vadd.f32 v21, v17;
	v23 =	vmul.f32 $1.000000010e-01, v23;
	v25 =	vmul.f32 v25, v29;
	v17 =	vld [tilespmem:s14+$0x5180]  }
0x71: {  	[tilespmem:s14+$0x4080] =	vst v20;
	v21 =	vadd.f32 v22, v18;
	v22 =	vmul.f32 $1.000000010e-01, v24;
	v20 =	vmul.f32 v26, v30;
	v18 =	vld [tilespmem:s14+$0x5200]  }
0x72: {  	s15 =	sadd.s32 $0x10, s15;
	[tilespmem:s14+$0x4100] =	vst v15;
	v24 =	vadd.f32 v23, v19;
	v23 =	vmul.f32 $1.000000010e-01, v25;
	v19 =	vmul.f32 v27, v31;
	v15 =	vld [tilespmem:s14+$0x5280]  }
0x73: {  	[tilespmem:s14+$0x4180] =	vst v21;
	v7 =	vadd.f32 v22, v7;
	v20 =	vmul.f32 $1.000000010e-01, v20;
	v45 =	vld [tilespmem:s14+$0x5300];
	v13 =	vmul.f32 v13, v16  }
0x74: {  	v48 =	vld [tilespmem:s14+$0x5380];
	[tilespmem:s14+$0x4200] =	vst v24;
	v5 =	vadd.f32 v23, v5;
	v47 =	vmul.f32 $1.000000010e-01, v19;
	v49 =	vmul.f32 v12, v14  }
0x75: {  	v46 =	vld [tilespmem:s14+$0x3200];
	[tilespmem:s14+$0x4280] =	vst v7;
	v4 =	vadd.f32 v20, v4;
	v13 =	vmul.f32 $1.000000010e-01, v13;
	v11 =	vmul.f32 v11, v17  }
0x76: {  	v50 =	vld [tilespmem:s14+$0x3280];
	[tilespmem:s14+$0x4300] =	vst v5;
	v3 =	vadd.f32 v47, v3;
	v51 =	vmul.f32 $1.000000010e-01, v49;
	v52 =	vmul.f32 v10, v18  }
0x77: {  	v53 =	vld [tilespmem:s14+$0x3300];
	[tilespmem:s14+$0x4380] =	vst v4;
	v2 =	vadd.f32 v13, v2;
	v11 =	vmul.f32 $1.000000010e-01, v11;
	v9 =	vmul.f32 v9, v15  }
0x78: {  	v56 =	vld [tilespmem:s14+$0x3380];
	[tilespmem:s14+$0x5000] =	vst v3;
	v1 =	vadd.f32 v51, v1;
	v54 =	vmul.f32 $1.000000010e-01, v52;
	v55 =	vmul.f32 v8, v45  }
0x79: {  	v6 =	vmul.f32 v6, v48;
	[tilespmem:s14+$0x5080] =	vst v2;
	v0 =	vadd.f32 v11, v0;
	v57 =	vmul.f32 $1.000000010e-01, v9  }
0x7a: {  	[tilespmem:s14+$0x5100] =	vst v1;
	v58 =	vadd.f32 v54, v46;
	v59 =	vmul.f32 $1.000000010e-01, v55  }
0x7b: {  	v61 =	vmul.f32 $1.000000010e-01, v6;
	[tilespmem:s14+$0x5180] =	vst v0;
	v60 =	vadd.f32 v57, v50  }
0x7c: {  	[tilespmem:s14+$0x5200] =	vst v58;
	v62 =	vadd.f32 v59, v53  }
0x7d: {  	s13 =	sadd.s32 $0x1, s13;
	v63 =	vadd.f32 v61, v56;
	[tilespmem:s14+$0x5280] =	vst v60  }
0x7e: {  	p0 =	sne.s32 s13, s7;
	[tilespmem:s14+$0x5300] =	vst v62  }
.Ltmp1:
0x7f: {  	[tilespmem:s14+$0x5380] =	vst v63;
	(pc) =	sbr.rel @p0 .LBB2_1-.Ltmp1, $4  }
0x80: {  	[hbm4b:s6+s8] =	stream.strided.scatter [tilespmem:s12], [sflag:$0x1], $0x2000, s9, s8, $0x38;
	[tilespmem:$0x6000] =	vst v63  }
0x81: {  	_ =	swait.ge [sflag:s10], $0x2000  }
0x82: {  	[sflag:s10] =	ssyncset.done $0x0  }
0x83: {  	[sflag:s10] =	ssyncadd.s32 $0xFFFFE000  }
0x84: {  	_ =	sfence.sel $0x180000  }
0x85: {  	[bflag:$0x0] =	sbarrier.arrive $0xFFFF  }
0x86: {  	p0 =	sne.s32 s1, $0x0;
	_ =	strace $0x9000004A  }
0x87: {  	s0 =	sadd.s32 @!p0 $0x100000, s0;
	[bflag:$0x2] =	sbarrier.arrive $0xFFFF  }
0x88: {  	[sflag:s0] =	ssyncadd.tile.s32 @!p0 $0x1;
	_ =	shalt  }
.Lfunc_end2:
_tile_overlayer_lowered:
.L_overlay_start_2:
0x89: {  	(tag) =	ssettag $0x2  }
0x8a: {  	s0 =	rddreg [dreg:$0x0];
	s2 =	stileid.u32  }
0x8b: {  	s1 =	rddreg [dreg:$0x1];
	p0 =	sne.s32 s2, $0x0  }
0x8c: {  	s3 =	rddreg [dreg:$0x2];
	[bflag:$0x3] =	sbarrier.arrive $0xFFFF;
	s2 =	simm.s32 @!p0 $0x1C01  }
0x8d: {  	[timem:s3], [sflag:s2] =	dma.local @!p0 [hbm:s0], s1  }
0x8e: {  	s0 =	simm.s32 @!p0 $0x1  }
0x8f: {  	_ =	swait.ge @!p0 [sflag:s0], s1  }
0x90: {  	s1 =	ssub.s32 @!p0 $0x0, s1;
	[sflag:s0] =	ssyncset.done @!p0 $0x0  }
0x91: {  	[sflag:s0] =	ssyncadd.s32 @!p0 s1  }
0x92: {  	[bflag:$0x3] =	sbarrier.arrive $0xFFFF  }
0x93: {  	_ =	shalt  }

</sc_bundles>
